<compile_context>
chip_gen: v7x
topology: tpu7x:2x2x1
jax: 0.10.2.dev20260603
libtpu: 0.0.44.dev20260713+nightly
codegen_flags: <defaults>
</compile_context>

<pallas_src>
import functools

import jax
import jax.numpy as jnp
from jax import lax
from jax.experimental import pallas as pl
from jax.experimental.pallas import tpu as pltpu
from jax.experimental.pallas import tpu_sc as plsc

_LANES = 16
_NUM_WORKERS = 32
_CHUNK = 16384
_NBUF = 2
_UNROLL = 4

_SC_SHARE = 8


def _sc_kernel_body(n_thr, per_worker, scores_hbm, thr_hbm, out_hbm,
                    thr_v, in0, in1, out0, out1,
                    si0, si1, so0, so1):
    in_b = (in0, in1)
    out_b = (out0, out1)
    in_sem = (si0, si1)
    out_sem = (so0, so1)

    wid = lax.axis_index("s") * 2 + lax.axis_index("c")
    base_off = wid * per_worker
    num_chunks = per_worker // _CHUNK

    pltpu.sync_copy(thr_hbm, thr_v)
    tb = [thr_v[pl.ds(j * _LANES, _LANES)] for j in range(n_thr)]

    for b in range(_NBUF):
        pltpu.async_copy(
            scores_hbm.at[pl.ds(base_off + b * _CHUNK, _CHUNK)],
            in_b[b], in_sem[b])

    @pl.loop(0, num_chunks, step=_NBUF)
    def _chunks(g0):
        for b in range(_NBUF):
            g = g0 + b
            off = base_off + g * _CHUNK
            pltpu.make_async_copy(
                scores_hbm.at[pl.ds(off, _CHUNK)], in_b[b], in_sem[b]).wait()

            @pl.when(g >= _NBUF)
            def _():
                pltpu.make_async_copy(
                    out_b[b],
                    out_hbm.at[pl.ds(off - _NBUF * _CHUNK, _CHUNK)],
                    out_sem[b]).wait()

            @pl.loop(0, _CHUNK // (_LANES * _UNROLL))
            def _vecs(i):
                for u in range(_UNROLL):
                    s = (i * _UNROLL + u) * _LANES
                    v = in_b[b][pl.ds(s, _LANES)]
                    acc = jnp.zeros((_LANES,), jnp.int32)
                    for j in range(n_thr):
                        acc = acc + jnp.where(v > tb[j], 1, 0)
                    out_b[b][pl.ds(s, _LANES)] = acc

            pltpu.async_copy(out_b[b], out_hbm.at[pl.ds(off, _CHUNK)],
                             out_sem[b])

            @pl.when(g + _NBUF < num_chunks)
            def _():
                pltpu.async_copy(
                    scores_hbm.at[pl.ds(off + _NBUF * _CHUNK, _CHUNK)],
                    in_b[b], in_sem[b])

    for b in range(_NBUF):
        last_off = base_off + (num_chunks - _NBUF + b) * _CHUNK
        pltpu.make_async_copy(
            out_b[b], out_hbm.at[pl.ds(last_off, _CHUNK)], out_sem[b]).wait()


def _tc_kernel_body(n_thr, thr_smem, x_ref, o_ref):
    x = x_ref[...]
    acc = jnp.zeros(x.shape, jnp.int32)
    for j in range(n_thr):
        acc = acc + (x > thr_smem[j]).astype(jnp.int32)
    o_ref[...] = acc


def _merge_body(tc_ref, sc_ref, o_ref):
    del tc_ref
    o_ref[...] = sc_ref[...]


_TC_BLK = 2097152


def kernel(scores, thresholds):
    n = scores.shape[0]
    n_thr = thresholds.shape[0]
    n_sc = n * _SC_SHARE // 32
    assert n_sc % (_NUM_WORKERS * _CHUNK * _NBUF) == 0
    assert (n - n_sc) % _TC_BLK == 0 and n_sc % _TC_BLK == 0
    per_worker = n_sc // _NUM_WORKERS
    sc_blocks = n_sc // _TC_BLK

    tc_out = pl.pallas_call(
        functools.partial(_tc_kernel_body, n_thr),
        grid=((n - n_sc) // _TC_BLK,),
        in_specs=[
            pl.BlockSpec(memory_space=pltpu.SMEM),
            pl.BlockSpec((_TC_BLK,), lambda i: (sc_blocks + i,)),
        ],
        out_specs=pl.BlockSpec((_TC_BLK,), lambda i: (sc_blocks + i,)),
        out_shape=jax.ShapeDtypeStruct((n,), jnp.int32),
    )(thresholds.astype(jnp.float32), scores)

    thr_b = jnp.repeat(thresholds.astype(jnp.float32), _LANES)
    mesh = plsc.VectorSubcoreMesh(core_axis_name="c", subcore_axis_name="s")
    sc_fn = functools.partial(
        pl.kernel,
        out_type=jax.ShapeDtypeStruct((n_sc,), jnp.int32),
        mesh=mesh,
        compiler_params=pltpu.CompilerParams(needs_layout_passes=False),
        scratch_types=[
            pltpu.VMEM((n_thr * _LANES,), jnp.float32),
            pltpu.VMEM((_CHUNK,), jnp.float32),
            pltpu.VMEM((_CHUNK,), jnp.float32),
            pltpu.VMEM((_CHUNK,), jnp.int32),
            pltpu.VMEM((_CHUNK,), jnp.int32),
            pltpu.SemaphoreType.DMA,
            pltpu.SemaphoreType.DMA,
            pltpu.SemaphoreType.DMA,
            pltpu.SemaphoreType.DMA,
        ],
    )(functools.partial(_sc_kernel_body, n_thr, per_worker))
    sc_out = sc_fn(scores, thr_b)

    return pl.pallas_call(
        _merge_body,
        grid=(sc_blocks,),
        in_specs=[
            pl.BlockSpec(memory_space=pl.ANY),
            pl.BlockSpec((_TC_BLK,), lambda i: (i,)),
        ],
        out_specs=pl.BlockSpec((_TC_BLK,), lambda i: (i,)),
        out_shape=jax.ShapeDtypeStruct((n,), jnp.int32),
        input_output_aliases={0: 0},
    )(tc_out, sc_out)

# --- scband reference (transcript-rebuilt; emitter-appended) ---
"""Pipeline reference for scband-optimal-ordinal-thresholding-via-dynamic-programming-44702019616864 (READ-ONLY COPY).

The authoritative reference and input builder live on the scoring server;
editing this copy changes nothing except your own understanding.
"""

import jax, jax.numpy as jnp
import numpy as np

NUM_CLASSES = 12
N = 16777216


def setup_inputs(seed: int = 0) -> dict:
    key = jax.random.key(seed)
    k1, k2 = jax.random.split(key)
    scores = jax.random.normal(k1, (N,), dtype=jnp.float32)
    # The torch module registers a buffer of zeros(num_classes - 1); after tuning it holds
    # monotone non-decreasing thresholds. Materialize a realistic sorted threshold vector.
    thresholds = jnp.sort(jax.random.normal(k2, (NUM_CLASSES - 1,), dtype=jnp.float32))
    return {"scores": scores, "thresholds": thresholds}


def reference(scores, thresholds):
    # torch.searchsorted(self.thresholds, scores) with default right=False == side='left'
    return jnp.searchsorted(thresholds, scores, side='left')

if __name__ == "__main__":
    import jax
    _d = setup_inputs()
    print(jax.jit(kernel)(*tuple(_d.values())))

</pallas_src>

<mosaic_0001>
#map = affine_map<(d0, d1) -> (0)>
module attributes {stable_mosaic.version = 14 : i64} {
  func.func @_sc_kernel_body(%arg0: i32, %arg1: i32, %arg2: memref<16777216xf32, #tpu.memory_space<hbm>>, %arg3: memref<176xf32, #tpu.memory_space<hbm>>, %arg4: memref<4194304xi32, #tpu.memory_space<hbm>>, %arg5: memref<176xf32, #tpu.memory_space<vmem>>, %arg6: memref<16384xf32, #tpu.memory_space<vmem>>, %arg7: memref<16384xf32, #tpu.memory_space<vmem>>, %arg8: memref<16384xi32, #tpu.memory_space<vmem>>, %arg9: memref<16384xi32, #tpu.memory_space<vmem>>, %arg10: memref<!tpu.dma_semaphore, #tpu.memory_space<semaphore_mem>>, %arg11: memref<!tpu.dma_semaphore, #tpu.memory_space<semaphore_mem>>, %arg12: memref<!tpu.dma_semaphore, #tpu.memory_space<semaphore_mem>>, %arg13: memref<!tpu.dma_semaphore, #tpu.memory_space<semaphore_mem>>) attributes {dimension_semantics = [#tpu.dimension_semantics<core_parallel>, #tpu.dimension_semantics<subcore_parallel>], iteration_bounds = array<i64: 2, 16>, scalar_prefetch = 0 : i64, scratch_operands = 9 : i64, tpu.core_type = #tpu.core_type<sc_vector_subcore>, window_params = [{transform_indices = #map}, {transform_indices = #map}, {transform_indices = #map}]} {
    %mul3A = arith.constant 2 : i32
    %mul3A_0 = arith.muli %arg1, %mul3A : i32
    %add3A = arith.addi %mul3A_0, %arg0 : i32
    %mul3A_1 = arith.constant 131072 : i32
    %mul3A_2 = arith.muli %add3A, %mul3A_1 : i32
    "tpu.region"() ({
      %run_scoped3A = tpu.sem_alloc : memref<!tpu.dma_semaphore, #tpu.memory_space<semaphore_mem>>
      tpu.enqueue_dma source(%arg3 : memref<176xf32, #tpu.memory_space<hbm>>) target(%arg5 : memref<176xf32, #tpu.memory_space<vmem>>) target_semaphore(%run_scoped3A : memref<!tpu.dma_semaphore, #tpu.memory_space<semaphore_mem>>)
      tpu.wait_dma2 semaphore(%run_scoped3A : memref<!tpu.dma_semaphore, #tpu.memory_space<semaphore_mem>>) src(%arg3 : memref<176xf32, #tpu.memory_space<hbm>>) dst(%arg5 : memref<176xf32, #tpu.memory_space<vmem>>)
      tpu.yield
    }) : () -> ()
    %get3A = arith.constant 0 : index
    %get3A_3 = tpu.vector_load %arg5[%get3A] {strides = array<i32>} : memref<176xf32, #tpu.memory_space<vmem>>, vector<16xf32>,
    %get3A_4 = arith.constant 16 : index
    %get3A_5 = tpu.vector_load %arg5[%get3A_4] {strides = array<i32>} : memref<176xf32, #tpu.memory_space<vmem>>, vector<16xf32>,
    %get3A_6 = arith.constant 32 : index
    %get3A_7 = tpu.vector_load %arg5[%get3A_6] {strides = array<i32>} : memref<176xf32, #tpu.memory_space<vmem>>, vector<16xf32>,
    %get3A_8 = arith.constant 48 : index
    %get3A_9 = tpu.vector_load %arg5[%get3A_8] {strides = array<i32>} : memref<176xf32, #tpu.memory_space<vmem>>, vector<16xf32>,
    %get3A_10 = arith.constant 64 : index
    %get3A_11 = tpu.vector_load %arg5[%get3A_10] {strides = array<i32>} : memref<176xf32, #tpu.memory_space<vmem>>, vector<16xf32>,
    %get3A_12 = arith.constant 80 : index
    %get3A_13 = tpu.vector_load %arg5[%get3A_12] {strides = array<i32>} : memref<176xf32, #tpu.memory_space<vmem>>, vector<16xf32>,
    %get3A_14 = arith.constant 96 : index
    %get3A_15 = tpu.vector_load %arg5[%get3A_14] {strides = array<i32>} : memref<176xf32, #tpu.memory_space<vmem>>, vector<16xf32>,
    %get3A_16 = arith.constant 112 : index
    %get3A_17 = tpu.vector_load %arg5[%get3A_16] {strides = array<i32>} : memref<176xf32, #tpu.memory_space<vmem>>, vector<16xf32>,
    %get3A_18 = arith.constant 128 : index
    %get3A_19 = tpu.vector_load %arg5[%get3A_18] {strides = array<i32>} : memref<176xf32, #tpu.memory_space<vmem>>, vector<16xf32>,
    %get3A_20 = arith.constant 144 : index
    %get3A_21 = tpu.vector_load %arg5[%get3A_20] {strides = array<i32>} : memref<176xf32, #tpu.memory_space<vmem>>, vector<16xf32>,
    %get3A_22 = arith.constant 160 : index
    %get3A_23 = tpu.vector_load %arg5[%get3A_22] {strides = array<i32>} : memref<176xf32, #tpu.memory_space<vmem>>, vector<16xf32>,
    %add3A_24 = arith.constant 0 : i32
    %add3A_25 = arith.addi %mul3A_2, %add3A_24 : i32
    %dma_start3A = tpu.memref_slice %arg2[%add3A_25] : memref<16777216xf32, #tpu.memory_space<hbm>> -> memref<16384xf32, #tpu.memory_space<hbm>>
    %dma_start3A_26 = tpu.memref_slice %arg2[%add3A_25] : memref<16777216xf32, #tpu.memory_space<hbm>> -> memref<16384xf32, #tpu.memory_space<hbm>>
    tpu.enqueue_dma source(%dma_start3A_26 : memref<16384xf32, #tpu.memory_space<hbm>>) target(%arg6 : memref<16384xf32, #tpu.memory_space<vmem>>) target_semaphore(%arg10 : memref<!tpu.dma_semaphore, #tpu.memory_space<semaphore_mem>>)
    %add3A_27 = arith.constant 16384 : i32
    %add3A_28 = arith.addi %mul3A_2, %add3A_27 : i32
    %dma_start3A_29 = tpu.memref_slice %arg2[%add3A_28] : memref<16777216xf32, #tpu.memory_space<hbm>> -> memref<16384xf32, #tpu.memory_space<hbm>>
    %dma_start3A_30 = tpu.memref_slice %arg2[%add3A_28] : memref<16777216xf32, #tpu.memory_space<hbm>> -> memref<16384xf32, #tpu.memory_space<hbm>>
    tpu.enqueue_dma source(%dma_start3A_30 : memref<16384xf32, #tpu.memory_space<hbm>>) target(%arg7 : memref<16384xf32, #tpu.memory_space<vmem>>) target_semaphore(%arg11 : memref<!tpu.dma_semaphore, #tpu.memory_space<semaphore_mem>>)
    %scan3A = arith.constant 0 : i32
    %scan3A_31 = arith.constant 4 : i32
    %scan3A_32 = arith.addi %scan3A, %scan3A_31 : i32
    %scan3A_33 = arith.constant 1 : i32
    scf.for %scan3A_42 = %scan3A to %scan3A_32 step %scan3A_33  : i32 {
      %mul3A_43 = arith.constant 2 : i32
      %mul3A_44 = arith.muli %scan3A_42, %mul3A_43 : i32
      %add3A_45 = arith.constant 0 : i32
      %add3A_46 = arith.addi %add3A_45, %mul3A_44 : i32
      %add3A_47 = arith.constant 0 : i32
      %add3A_48 = arith.addi %add3A_46, %add3A_47 : i32
      %mul3A_49 = arith.constant 16384 : i32
      %mul3A_50 = arith.muli %add3A_48, %mul3A_49 : i32
      %add3A_51 = arith.addi %mul3A_2, %mul3A_50 : i32
      %dma_wait3A_52 = tpu.memref_slice %arg2[%add3A_51] : memref<16777216xf32, #tpu.memory_space<hbm>> -> memref<16384xf32, #tpu.memory_space<hbm>>
      %dma_wait3A_53 = tpu.memref_slice %arg2[%add3A_51] : memref<16777216xf32, #tpu.memory_space<hbm>> -> memref<16384xf32, #tpu.memory_space<hbm>>
      tpu.wait_dma2 semaphore(%arg10 : memref<!tpu.dma_semaphore, #tpu.memory_space<semaphore_mem>>) src(%dma_wait3A_53 : memref<16384xf32, #tpu.memory_space<hbm>>) dst(%arg6 : memref<16384xf32, #tpu.memory_space<vmem>>)
      %ge3A = arith.constant 2 : i32
      %ge3A_54 = arith.cmpi sge, %add3A_48, %ge3A : i32
      %convert_element_type3A = arith.extui %ge3A_54 : i1 to i32
      %cond3A = arith.constant 0 : i32
      %cond3A_55 = arith.cmpi ne, %convert_element_type3A, %cond3A : i32
      scf.if %cond3A_55 {
        %sub3A = arith.constant 32768 : i32
        %sub3A_95 = arith.subi %add3A_51, %sub3A : i32
        %dma_wait3A_96 = tpu.memref_slice %arg4[%sub3A_95] : memref<4194304xi32, #tpu.memory_space<hbm>> -> memref<16384xi32, #tpu.memory_space<hbm>>
        %dma_wait3A_97 = tpu.memref_slice %arg4[%sub3A_95] : memref<4194304xi32, #tpu.memory_space<hbm>> -> memref<16384xi32, #tpu.memory_space<hbm>>
        tpu.wait_dma2 semaphore(%arg12 : memref<!tpu.dma_semaphore, #tpu.memory_space<semaphore_mem>>) src(%arg8 : memref<16384xi32, #tpu.memory_space<vmem>>) dst(%dma_wait3A_97 : memref<16384xi32, #tpu.memory_space<hbm>>)
      } else {
      }
      %scan3A_56 = arith.constant 0 : i32
      %scan3A_57 = arith.constant 256 : i32
      %scan3A_58 = arith.addi %scan3A_56, %scan3A_57 : i32
      %scan3A_59 = arith.constant 1 : i32
      scf.for %scan3A_95 = %scan3A_56 to %scan3A_58 step %scan3A_59  : i32 {
        %mul3A_96 = arith.constant 1 : i32
        %mul3A_97 = arith.muli %scan3A_95, %mul3A_96 : i32
        %add3A_98 = arith.constant 0 : i32
        %add3A_99 = arith.addi %add3A_98, %mul3A_97 : i32
        %mul3A_100 = arith.constant 4 : i32
        %mul3A_101 = arith.muli %add3A_99, %mul3A_100 : i32
        %add3A_102 = arith.constant 0 : i32
        %add3A_103 = arith.addi %mul3A_101, %add3A_102 : i32
        %mul3A_104 = arith.constant 16 : i32
        %mul3A_105 = arith.muli %add3A_103, %mul3A_104 : i32
        %get3A_106 = arith.index_cast %mul3A_105 : i32 to index
        %get3A_107 = tpu.vector_load %arg6[%get3A_106] {strides = array<i32>} : memref<16384xf32, #tpu.memory_space<vmem>>, vector<16xf32>,
        %broadcast_in_dim3A = arith.constant 0 : i32
        %broadcast_in_dim3A_108 = vector.broadcast %broadcast_in_dim3A : i32 to vector<16xi32>
        %gt3A = arith.cmpf ogt, %get3A_107, %get3A_3 : vector<16xf32>
        %jit3A = arith.constant 1 : i32
        %jit3A_109 = arith.constant 0 : i32
        %broadcast_in_dim3A_110 = vector.broadcast %jit3A : i32 to vector<16xi32>
        %broadcast_in_dim3A_111 = vector.broadcast %jit3A_109 : i32 to vector<16xi32>
        %select_n3A = arith.select %gt3A, %broadcast_in_dim3A_110, %broadcast_in_dim3A_111 : vector<16xi1>, vector<16xi32>
        %add3A_112 = arith.addi %broadcast_in_dim3A_108, %select_n3A : vector<16xi32>
        %gt3A_113 = arith.cmpf ogt, %get3A_107, %get3A_5 : vector<16xf32>
        %jit3A_114 = arith.constant 1 : i32
        %jit3A_115 = arith.constant 0 : i32
        %broadcast_in_dim3A_116 = vector.broadcast %jit3A_114 : i32 to vector<16xi32>
        %broadcast_in_dim3A_117 = vector.broadcast %jit3A_115 : i32 to vector<16xi32>
        %select_n3A_118 = arith.select %gt3A_113, %broadcast_in_dim3A_116, %broadcast_in_dim3A_117 : vector<16xi1>, vector<16xi32>
        %add3A_119 = arith.addi %add3A_112, %select_n3A_118 : vector<16xi32>
        %gt3A_120 = arith.cmpf ogt, %get3A_107, %get3A_7 : vector<16xf32>
        %jit3A_121 = arith.constant 1 : i32
        %jit3A_122 = arith.constant 0 : i32
        %broadcast_in_dim3A_123 = vector.broadcast %jit3A_121 : i32 to vector<16xi32>
        %broadcast_in_dim3A_124 = vector.broadcast %jit3A_122 : i32 to vector<16xi32>
        %select_n3A_125 = arith.select %gt3A_120, %broadcast_in_dim3A_123, %broadcast_in_dim3A_124 : vector<16xi1>, vector<16xi32>
        %add3A_126 = arith.addi %add3A_119, %select_n3A_125 : vector<16xi32>
        %gt3A_127 = arith.cmpf ogt, %get3A_107, %get3A_9 : vector<16xf32>
        %jit3A_128 = arith.constant 1 : i32
        %jit3A_129 = arith.constant 0 : i32
        %broadcast_in_dim3A_130 = vector.broadcast %jit3A_128 : i32 to vector<16xi32>
        %broadcast_in_dim3A_131 = vector.broadcast %jit3A_129 : i32 to vector<16xi32>
        %select_n3A_132 = arith.select %gt3A_127, %broadcast_in_dim3A_130, %broadcast_in_dim3A_131 : vector<16xi1>, vector<16xi32>
        %add3A_133 = arith.addi %add3A_126, %select_n3A_132 : vector<16xi32>
        %gt3A_134 = arith.cmpf ogt, %get3A_107, %get3A_11 : vector<16xf32>
        %jit3A_135 = arith.constant 1 : i32
        %jit3A_136 = arith.constant 0 : i32
        %broadcast_in_dim3A_137 = vector.broadcast %jit3A_135 : i32 to vector<16xi32>
        %broadcast_in_dim3A_138 = vector.broadcast %jit3A_136 : i32 to vector<16xi32>
        %select_n3A_139 = arith.select %gt3A_134, %broadcast_in_dim3A_137, %broadcast_in_dim3A_138 : vector<16xi1>, vector<16xi32>
        %add3A_140 = arith.addi %add3A_133, %select_n3A_139 : vector<16xi32>
        %gt3A_141 = arith.cmpf ogt, %get3A_107, %get3A_13 : vector<16xf32>
        %jit3A_142 = arith.constant 1 : i32
        %jit3A_143 = arith.constant 0 : i32
        %broadcast_in_dim3A_144 = vector.broadcast %jit3A_142 : i32 to vector<16xi32>
        %broadcast_in_dim3A_145 = vector.broadcast %jit3A_143 : i32 to vector<16xi32>
        %select_n3A_146 = arith.select %gt3A_141, %broadcast_in_dim3A_144, %broadcast_in_dim3A_145 : vector<16xi1>, vector<16xi32>
        %add3A_147 = arith.addi %add3A_140, %select_n3A_146 : vector<16xi32>
        %gt3A_148 = arith.cmpf ogt, %get3A_107, %get3A_15 : vector<16xf32>
        %jit3A_149 = arith.constant 1 : i32
        %jit3A_150 = arith.constant 0 : i32
        %broadcast_in_dim3A_151 = vector.broadcast %jit3A_149 : i32 to vector<16xi32>
        %broadcast_in_dim3A_152 = vector.broadcast %jit3A_150 : i32 to vector<16xi32>
        %select_n3A_153 = arith.select %gt3A_148, %broadcast_in_dim3A_151, %broadcast_in_dim3A_152 : vector<16xi1>, vector<16xi32>
        %add3A_154 = arith.addi %add3A_147, %select_n3A_153 : vector<16xi32>
        %gt3A_155 = arith.cmpf ogt, %get3A_107, %get3A_17 : vector<16xf32>
        %jit3A_156 = arith.constant 1 : i32
        %jit3A_157 = arith.constant 0 : i32
        %broadcast_in_dim3A_158 = vector.broadcast %jit3A_156 : i32 to vector<16xi32>
        %broadcast_in_dim3A_159 = vector.broadcast %jit3A_157 : i32 to vector<16xi32>
        %select_n3A_160 = arith.select %gt3A_155, %broadcast_in_dim3A_158, %broadcast_in_dim3A_159 : vector<16xi1>, vector<16xi32>
        %add3A_161 = arith.addi %add3A_154, %select_n3A_160 : vector<16xi32>
        %gt3A_162 = arith.cmpf ogt, %get3A_107, %get3A_19 : vector<16xf32>
        %jit3A_163 = arith.constant 1 : i32
        %jit3A_164 = arith.constant 0 : i32
        %broadcast_in_dim3A_165 = vector.broadcast %jit3A_163 : i32 to vector<16xi32>
        %broadcast_in_dim3A_166 = vector.broadcast %jit3A_164 : i32 to vector<16xi32>
        %select_n3A_167 = arith.select %gt3A_162, %broadcast_in_dim3A_165, %broadcast_in_dim3A_166 : vector<16xi1>, vector<16xi32>
        %add3A_168 = arith.addi %add3A_161, %select_n3A_167 : vector<16xi32>
        %gt3A_169 = arith.cmpf ogt, %get3A_107, %get3A_21 : vector<16xf32>
        %jit3A_170 = arith.constant 1 : i32
        %jit3A_171 = arith.constant 0 : i32
        %broadcast_in_dim3A_172 = vector.broadcast %jit3A_170 : i32 to vector<16xi32>
        %broadcast_in_dim3A_173 = vector.broadcast %jit3A_171 : i32 to vector<16xi32>
        %select_n3A_174 = arith.select %gt3A_169, %broadcast_in_dim3A_172, %broadcast_in_dim3A_173 : vector<16xi1>, vector<16xi32>
        %add3A_175 = arith.addi %add3A_168, %select_n3A_174 : vector<16xi32>
        %gt3A_176 = arith.cmpf ogt, %get3A_107, %get3A_23 : vector<16xf32>
        %jit3A_177 = arith.constant 1 : i32
        %jit3A_178 = arith.constant 0 : i32
        %broadcast_in_dim3A_179 = vector.broadcast %jit3A_177 : i32 to vector<16xi32>
        %broadcast_in_dim3A_180 = vector.broadcast %jit3A_178 : i32 to vector<16xi32>
        %select_n3A_181 = arith.select %gt3A_176, %broadcast_in_dim3A_179, %broadcast_in_dim3A_180 : vector<16xi1>, vector<16xi32>
        %add3A_182 = arith.addi %add3A_175, %select_n3A_181 : vector<16xi32>
        %swap3A = arith.index_cast %mul3A_105 : i32 to index
        %swap3A_183 = tpu.vector_load %arg8[%swap3A] {strides = array<i32>} : memref<16384xi32, #tpu.memory_space<vmem>>, vector<16xi32>,
        tpu.vector_store %arg8[%swap3A], %add3A_182 {strides = array<i32>} : memref<16384xi32, #tpu.memory_space<vmem>>, vector<16xi32>,
        %mul3A_184 = arith.constant 4 : i32
        %mul3A_185 = arith.muli %add3A_99, %mul3A_184 : i32
        %add3A_186 = arith.constant 1 : i32
        %add3A_187 = arith.addi %mul3A_185, %add3A_186 : i32
        %mul3A_188 = arith.constant 16 : i32
        %mul3A_189 = arith.muli %add3A_187, %mul3A_188 : i32
        %get3A_190 = arith.index_cast %mul3A_189 : i32 to index
        %get3A_191 = tpu.vector_load %arg6[%get3A_190] {strides = array<i32>} : memref<16384xf32, #tpu.memory_space<vmem>>, vector<16xf32>,
        %broadcast_in_dim3A_192 = arith.constant 0 : i32
        %broadcast_in_dim3A_193 = vector.broadcast %broadcast_in_dim3A_192 : i32 to vector<16xi32>
        %gt3A_194 = arith.cmpf ogt, %get3A_191, %get3A_3 : vector<16xf32>
        %jit3A_195 = arith.constant 1 : i32
        %jit3A_196 = arith.constant 0 : i32
        %broadcast_in_dim3A_197 = vector.broadcast %jit3A_195 : i32 to vector<16xi32>
        %broadcast_in_dim3A_198 = vector.broadcast %jit3A_196 : i32 to vector<16xi32>
        %select_n3A_199 = arith.select %gt3A_194, %broadcast_in_dim3A_197, %broadcast_in_dim3A_198 : vector<16xi1>, vector<16xi32>
        %add3A_200 = arith.addi %broadcast_in_dim3A_193, %select_n3A_199 : vector<16xi32>
        %gt3A_201 = arith.cmpf ogt, %get3A_191, %get3A_5 : vector<16xf32>
        %jit3A_202 = arith.constant 1 : i32
        %jit3A_203 = arith.constant 0 : i32
        %broadcast_in_dim3A_204 = vector.broadcast %jit3A_202 : i32 to vector<16xi32>
        %broadcast_in_dim3A_205 = vector.broadcast %jit3A_203 : i32 to vector<16xi32>
        %select_n3A_206 = arith.select %gt3A_201, %broadcast_in_dim3A_204, %broadcast_in_dim3A_205 : vector<16xi1>, vector<16xi32>
        %add3A_207 = arith.addi %add3A_200, %select_n3A_206 : vector<16xi32>
        %gt3A_208 = arith.cmpf ogt, %get3A_191, %get3A_7 : vector<16xf32>
        %jit3A_209 = arith.constant 1 : i32
        %jit3A_210 = arith.constant 0 : i32
        %broadcast_in_dim3A_211 = vector.broadcast %jit3A_209 : i32 to vector<16xi32>
        %broadcast_in_dim3A_212 = vector.broadcast %jit3A_210 : i32 to vector<16xi32>
        %select_n3A_213 = arith.select %gt3A_208, %broadcast_in_dim3A_211, %broadcast_in_dim3A_212 : vector<16xi1>, vector<16xi32>
        %add3A_214 = arith.addi %add3A_207, %select_n3A_213 : vector<16xi32>
        %gt3A_215 = arith.cmpf ogt, %get3A_191, %get3A_9 : vector<16xf32>
        %jit3A_216 = arith.constant 1 : i32
        %jit3A_217 = arith.constant 0 : i32
        %broadcast_in_dim3A_218 = vector.broadcast %jit3A_216 : i32 to vector<16xi32>
        %broadcast_in_dim3A_219 = vector.broadcast %jit3A_217 : i32 to vector<16xi32>
        %select_n3A_220 = arith.select %gt3A_215, %broadcast_in_dim3A_218, %broadcast_in_dim3A_219 : vector<16xi1>, vector<16xi32>
        %add3A_221 = arith.addi %add3A_214, %select_n3A_220 : vector<16xi32>
        %gt3A_222 = arith.cmpf ogt, %get3A_191, %get3A_11 : vector<16xf32>
        %jit3A_223 = arith.constant 1 : i32
        %jit3A_224 = arith.constant 0 : i32
        %broadcast_in_dim3A_225 = vector.broadcast %jit3A_223 : i32 to vector<16xi32>
        %broadcast_in_dim3A_226 = vector.broadcast %jit3A_224 : i32 to vector<16xi32>
        %select_n3A_227 = arith.select %gt3A_222, %broadcast_in_dim3A_225, %broadcast_in_dim3A_226 : vector<16xi1>, vector<16xi32>
        %add3A_228 = arith.addi %add3A_221, %select_n3A_227 : vector<16xi32>
        %gt3A_229 = arith.cmpf ogt, %get3A_191, %get3A_13 : vector<16xf32>
        %jit3A_230 = arith.constant 1 : i32
        %jit3A_231 = arith.constant 0 : i32
        %broadcast_in_dim3A_232 = vector.broadcast %jit3A_230 : i32 to vector<16xi32>
        %broadcast_in_dim3A_233 = vector.broadcast %jit3A_231 : i32 to vector<16xi32>
        %select_n3A_234 = arith.select %gt3A_229, %broadcast_in_dim3A_232, %broadcast_in_dim3A_233 : vector<16xi1>, vector<16xi32>
        %add3A_235 = arith.addi %add3A_228, %select_n3A_234 : vector<16xi32>
        %gt3A_236 = arith.cmpf ogt, %get3A_191, %get3A_15 : vector<16xf32>
        %jit3A_237 = arith.constant 1 : i32
        %jit3A_238 = arith.constant 0 : i32
        %broadcast_in_dim3A_239 = vector.broadcast %jit3A_237 : i32 to vector<16xi32>
        %broadcast_in_dim3A_240 = vector.broadcast %jit3A_238 : i32 to vector<16xi32>
        %select_n3A_241 = arith.select %gt3A_236, %broadcast_in_dim3A_239, %broadcast_in_dim3A_240 : vector<16xi1>, vector<16xi32>
        %add3A_242 = arith.addi %add3A_235, %select_n3A_241 : vector<16xi32>
        %gt3A_243 = arith.cmpf ogt, %get3A_191, %get3A_17 : vector<16xf32>
        %jit3A_244 = arith.constant 1 : i32
        %jit3A_245 = arith.constant 0 : i32
        %broadcast_in_dim3A_246 = vector.broadcast %jit3A_244 : i32 to vector<16xi32>
        %broadcast_in_dim3A_247 = vector.broadcast %jit3A_245 : i32 to vector<16xi32>
        %select_n3A_248 = arith.select %gt3A_243, %broadcast_in_dim3A_246, %broadcast_in_dim3A_247 : vector<16xi1>, vector<16xi32>
        %add3A_249 = arith.addi %add3A_242, %select_n3A_248 : vector<16xi32>
        %gt3A_250 = arith.cmpf ogt, %get3A_191, %get3A_19 : vector<16xf32>
        %jit3A_251 = arith.constant 1 : i32
        %jit3A_252 = arith.constant 0 : i32
        %broadcast_in_dim3A_253 = vector.broadcast %jit3A_251 : i32 to vector<16xi32>
        %broadcast_in_dim3A_254 = vector.broadcast %jit3A_252 : i32 to vector<16xi32>
        %select_n3A_255 = arith.select %gt3A_250, %broadcast_in_dim3A_253, %broadcast_in_dim3A_254 : vector<16xi1>, vector<16xi32>
        %add3A_256 = arith.addi %add3A_249, %select_n3A_255 : vector<16xi32>
        %gt3A_257 = arith.cmpf ogt, %get3A_191, %get3A_21 : vector<16xf32>
        %jit3A_258 = arith.constant 1 : i32
        %jit3A_259 = arith.constant 0 : i32
        %broadcast_in_dim3A_260 = vector.broadcast %jit3A_258 : i32 to vector<16xi32>
        %broadcast_in_dim3A_261 = vector.broadcast %jit3A_259 : i32 to vector<16xi32>
        %select_n3A_262 = arith.select %gt3A_257, %broadcast_in_dim3A_260, %broadcast_in_dim3A_261 : vector<16xi1>, vector<16xi32>
        %add3A_263 = arith.addi %add3A_256, %select_n3A_262 : vector<16xi32>
        %gt3A_264 = arith.cmpf ogt, %get3A_191, %get3A_23 : vector<16xf32>
        %jit3A_265 = arith.constant 1 : i32
        %jit3A_266 = arith.constant 0 : i32
        %broadcast_in_dim3A_267 = vector.broadcast %jit3A_265 : i32 to vector<16xi32>
        %broadcast_in_dim3A_268 = vector.broadcast %jit3A_266 : i32 to vector<16xi32>
        %select_n3A_269 = arith.select %gt3A_264, %broadcast_in_dim3A_267, %broadcast_in_dim3A_268 : vector<16xi1>, vector<16xi32>
        %add3A_270 = arith.addi %add3A_263, %select_n3A_269 : vector<16xi32>
        %swap3A_271 = arith.index_cast %mul3A_189 : i32 to index
        %swap3A_272 = tpu.vector_load %arg8[%swap3A_271] {strides = array<i32>} : memref<16384xi32, #tpu.memory_space<vmem>>, vector<16xi32>,
        tpu.vector_store %arg8[%swap3A_271], %add3A_270 {strides = array<i32>} : memref<16384xi32, #tpu.memory_space<vmem>>, vector<16xi32>,
        %mul3A_273 = arith.constant 4 : i32
        %mul3A_274 = arith.muli %add3A_99, %mul3A_273 : i32
        %add3A_275 = arith.constant 2 : i32
        %add3A_276 = arith.addi %mul3A_274, %add3A_275 : i32
        %mul3A_277 = arith.constant 16 : i32
        %mul3A_278 = arith.muli %add3A_276, %mul3A_277 : i32
        %get3A_279 = arith.index_cast %mul3A_278 : i32 to index
        %get3A_280 = tpu.vector_load %arg6[%get3A_279] {strides = array<i32>} : memref<16384xf32, #tpu.memory_space<vmem>>, vector<16xf32>,
        %broadcast_in_dim3A_281 = arith.constant 0 : i32
        %broadcast_in_dim3A_282 = vector.broadcast %broadcast_in_dim3A_281 : i32 to vector<16xi32>
        %gt3A_283 = arith.cmpf ogt, %get3A_280, %get3A_3 : vector<16xf32>
        %jit3A_284 = arith.constant 1 : i32
        %jit3A_285 = arith.constant 0 : i32
        %broadcast_in_dim3A_286 = vector.broadcast %jit3A_284 : i32 to vector<16xi32>
        %broadcast_in_dim3A_287 = vector.broadcast %jit3A_285 : i32 to vector<16xi32>
        %select_n3A_288 = arith.select %gt3A_283, %broadcast_in_dim3A_286, %broadcast_in_dim3A_287 : vector<16xi1>, vector<16xi32>
        %add3A_289 = arith.addi %broadcast_in_dim3A_282, %select_n3A_288 : vector<16xi32>
        %gt3A_290 = arith.cmpf ogt, %get3A_280, %get3A_5 : vector<16xf32>
        %jit3A_291 = arith.constant 1 : i32
        %jit3A_292 = arith.constant 0 : i32
        %broadcast_in_dim3A_293 = vector.broadcast %jit3A_291 : i32 to vector<16xi32>
        %broadcast_in_dim3A_294 = vector.broadcast %jit3A_292 : i32 to vector<16xi32>
        %select_n3A_295 = arith.select %gt3A_290, %broadcast_in_dim3A_293, %broadcast_in_dim3A_294 : vector<16xi1>, vector<16xi32>
        %add3A_296 = arith.addi %add3A_289, %select_n3A_295 : vector<16xi32>
        %gt3A_297 = arith.cmpf ogt, %get3A_280, %get3A_7 : vector<16xf32>
        %jit3A_298 = arith.constant 1 : i32
        %jit3A_299 = arith.constant 0 : i32
        %broadcast_in_dim3A_300 = vector.broadcast %jit3A_298 : i32 to vector<16xi32>
        %broadcast_in_dim3A_301 = vector.broadcast %jit3A_299 : i32 to vector<16xi32>
        %select_n3A_302 = arith.select %gt3A_297, %broadcast_in_dim3A_300, %broadcast_in_dim3A_301 : vector<16xi1>, vector<16xi32>
        %add3A_303 = arith.addi %add3A_296, %select_n3A_302 : vector<16xi32>
        %gt3A_304 = arith.cmpf ogt, %get3A_280, %get3A_9 : vector<16xf32>
        %jit3A_305 = arith.constant 1 : i32
        %jit3A_306 = arith.constant 0 : i32
        %broadcast_in_dim3A_307 = vector.broadcast %jit3A_305 : i32 to vector<16xi32>
        %broadcast_in_dim3A_308 = vector.broadcast %jit3A_306 : i32 to vector<16xi32>
        %select_n3A_309 = arith.select %gt3A_304, %broadcast_in_dim3A_307, %broadcast_in_dim3A_308 : vector<16xi1>, vector<16xi32>
        %add3A_310 = arith.addi %add3A_303, %select_n3A_309 : vector<16xi32>
        %gt3A_311 = arith.cmpf ogt, %get3A_280, %get3A_11 : vector<16xf32>
        %jit3A_312 = arith.constant 1 : i32
        %jit3A_313 = arith.constant 0 : i32
        %broadcast_in_dim3A_314 = vector.broadcast %jit3A_312 : i32 to vector<16xi32>
        %broadcast_in_dim3A_315 = vector.broadcast %jit3A_313 : i32 to vector<16xi32>
        %select_n3A_316 = arith.select %gt3A_311, %broadcast_in_dim3A_314, %broadcast_in_dim3A_315 : vector<16xi1>, vector<16xi32>
        %add3A_317 = arith.addi %add3A_310, %select_n3A_316 : vector<16xi32>
        %gt3A_318 = arith.cmpf ogt, %get3A_280, %get3A_13 : vector<16xf32>
        %jit3A_319 = arith.constant 1 : i32
        %jit3A_320 = arith.constant 0 : i32
        %broadcast_in_dim3A_321 = vector.broadcast %jit3A_319 : i32 to vector<16xi32>
        %broadcast_in_dim3A_322 = vector.broadcast %jit3A_320 : i32 to vector<16xi32>
        %select_n3A_323 = arith.select %gt3A_318, %broadcast_in_dim3A_321, %broadcast_in_dim3A_322 : vector<16xi1>, vector<16xi32>
        %add3A_324 = arith.addi %add3A_317, %select_n3A_323 : vector<16xi32>
        %gt3A_325 = arith.cmpf ogt, %get3A_280, %get3A_15 : vector<16xf32>
        %jit3A_326 = arith.constant 1 : i32
        %jit3A_327 = arith.constant 0 : i32
        %broadcast_in_dim3A_328 = vector.broadcast %jit3A_326 : i32 to vector<16xi32>
        %broadcast_in_dim3A_329 = vector.broadcast %jit3A_327 : i32 to vector<16xi32>
        %select_n3A_330 = arith.select %gt3A_325, %broadcast_in_dim3A_328, %broadcast_in_dim3A_329 : vector<16xi1>, vector<16xi32>
        %add3A_331 = arith.addi %add3A_324, %select_n3A_330 : vector<16xi32>
        %gt3A_332 = arith.cmpf ogt, %get3A_280, %get3A_17 : vector<16xf32>
        %jit3A_333 = arith.constant 1 : i32
        %jit3A_334 = arith.constant 0 : i32
        %broadcast_in_dim3A_335 = vector.broadcast %jit3A_333 : i32 to vector<16xi32>
        %broadcast_in_dim3A_336 = vector.broadcast %jit3A_334 : i32 to vector<16xi32>
        %select_n3A_337 = arith.select %gt3A_332, %broadcast_in_dim3A_335, %broadcast_in_dim3A_336 : vector<16xi1>, vector<16xi32>
        %add3A_338 = arith.addi %add3A_331, %select_n3A_337 : vector<16xi32>
        %gt3A_339 = arith.cmpf ogt, %get3A_280, %get3A_19 : vector<16xf32>
        %jit3A_340 = arith.constant 1 : i32
        %jit3A_341 = arith.constant 0 : i32
        %broadcast_in_dim3A_342 = vector.broadcast %jit3A_340 : i32 to vector<16xi32>
        %broadcast_in_dim3A_343 = vector.broadcast %jit3A_341 : i32 to vector<16xi32>
        %select_n3A_344 = arith.select %gt3A_339, %broadcast_in_dim3A_342, %broadcast_in_dim3A_343 : vector<16xi1>, vector<16xi32>
        %add3A_345 = arith.addi %add3A_338, %select_n3A_344 : vector<16xi32>
        %gt3A_346 = arith.cmpf ogt, %get3A_280, %get3A_21 : vector<16xf32>
        %jit3A_347 = arith.constant 1 : i32
        %jit3A_348 = arith.constant 0 : i32
        %broadcast_in_dim3A_349 = vector.broadcast %jit3A_347 : i32 to vector<16xi32>
        %broadcast_in_dim3A_350 = vector.broadcast %jit3A_348 : i32 to vector<16xi32>
        %select_n3A_351 = arith.select %gt3A_346, %broadcast_in_dim3A_349, %broadcast_in_dim3A_350 : vector<16xi1>, vector<16xi32>
        %add3A_352 = arith.addi %add3A_345, %select_n3A_351 : vector<16xi32>
        %gt3A_353 = arith.cmpf ogt, %get3A_280, %get3A_23 : vector<16xf32>
        %jit3A_354 = arith.constant 1 : i32
        %jit3A_355 = arith.constant 0 : i32
        %broadcast_in_dim3A_356 = vector.broadcast %jit3A_354 : i32 to vector<16xi32>
        %broadcast_in_dim3A_357 = vector.broadcast %jit3A_355 : i32 to vector<16xi32>
        %select_n3A_358 = arith.select %gt3A_353, %broadcast_in_dim3A_356, %broadcast_in_dim3A_357 : vector<16xi1>, vector<16xi32>
        %add3A_359 = arith.addi %add3A_352, %select_n3A_358 : vector<16xi32>
        %swap3A_360 = arith.index_cast %mul3A_278 : i32 to index
        %swap3A_361 = tpu.vector_load %arg8[%swap3A_360] {strides = array<i32>} : memref<16384xi32, #tpu.memory_space<vmem>>, vector<16xi32>,
        tpu.vector_store %arg8[%swap3A_360], %add3A_359 {strides = array<i32>} : memref<16384xi32, #tpu.memory_space<vmem>>, vector<16xi32>,
        %mul3A_362 = arith.constant 4 : i32
        %mul3A_363 = arith.muli %add3A_99, %mul3A_362 : i32
        %add3A_364 = arith.constant 3 : i32
        %add3A_365 = arith.addi %mul3A_363, %add3A_364 : i32
        %mul3A_366 = arith.constant 16 : i32
        %mul3A_367 = arith.muli %add3A_365, %mul3A_366 : i32
        %get3A_368 = arith.index_cast %mul3A_367 : i32 to index
        %get3A_369 = tpu.vector_load %arg6[%get3A_368] {strides = array<i32>} : memref<16384xf32, #tpu.memory_space<vmem>>, vector<16xf32>,
        %broadcast_in_dim3A_370 = arith.constant 0 : i32
        %broadcast_in_dim3A_371 = vector.broadcast %broadcast_in_dim3A_370 : i32 to vector<16xi32>
        %gt3A_372 = arith.cmpf ogt, %get3A_369, %get3A_3 : vector<16xf32>
        %jit3A_373 = arith.constant 1 : i32
        %jit3A_374 = arith.constant 0 : i32
        %broadcast_in_dim3A_375 = vector.broadcast %jit3A_373 : i32 to vector<16xi32>
        %broadcast_in_dim3A_376 = vector.broadcast %jit3A_374 : i32 to vector<16xi32>
        %select_n3A_377 = arith.select %gt3A_372, %broadcast_in_dim3A_375, %broadcast_in_dim3A_376 : vector<16xi1>, vector<16xi32>
        %add3A_378 = arith.addi %broadcast_in_dim3A_371, %select_n3A_377 : vector<16xi32>
        %gt3A_379 = arith.cmpf ogt, %get3A_369, %get3A_5 : vector<16xf32>
        %jit3A_380 = arith.constant 1 : i32
        %jit3A_381 = arith.constant 0 : i32
        %broadcast_in_dim3A_382 = vector.broadcast %jit3A_380 : i32 to vector<16xi32>
        %broadcast_in_dim3A_383 = vector.broadcast %jit3A_381 : i32 to vector<16xi32>
        %select_n3A_384 = arith.select %gt3A_379, %broadcast_in_dim3A_382, %broadcast_in_dim3A_383 : vector<16xi1>, vector<16xi32>
        %add3A_385 = arith.addi %add3A_378, %select_n3A_384 : vector<16xi32>
        %gt3A_386 = arith.cmpf ogt, %get3A_369, %get3A_7 : vector<16xf32>
        %jit3A_387 = arith.constant 1 : i32
        %jit3A_388 = arith.constant 0 : i32
        %broadcast_in_dim3A_389 = vector.broadcast %jit3A_387 : i32 to vector<16xi32>
        %broadcast_in_dim3A_390 = vector.broadcast %jit3A_388 : i32 to vector<16xi32>
        %select_n3A_391 = arith.select %gt3A_386, %broadcast_in_dim3A_389, %broadcast_in_dim3A_390 : vector<16xi1>, vector<16xi32>
        %add3A_392 = arith.addi %add3A_385, %select_n3A_391 : vector<16xi32>
        %gt3A_393 = arith.cmpf ogt, %get3A_369, %get3A_9 : vector<16xf32>
        %jit3A_394 = arith.constant 1 : i32
        %jit3A_395 = arith.constant 0 : i32
        %broadcast_in_dim3A_396 = vector.broadcast %jit3A_394 : i32 to vector<16xi32>
        %broadcast_in_dim3A_397 = vector.broadcast %jit3A_395 : i32 to vector<16xi32>
        %select_n3A_398 = arith.select %gt3A_393, %broadcast_in_dim3A_396, %broadcast_in_dim3A_397 : vector<16xi1>, vector<16xi32>
        %add3A_399 = arith.addi %add3A_392, %select_n3A_398 : vector<16xi32>
        %gt3A_400 = arith.cmpf ogt, %get3A_369, %get3A_11 : vector<16xf32>
        %jit3A_401 = arith.constant 1 : i32
        %jit3A_402 = arith.constant 0 : i32
        %broadcast_in_dim3A_403 = vector.broadcast %jit3A_401 : i32 to vector<16xi32>
        %broadcast_in_dim3A_404 = vector.broadcast %jit3A_402 : i32 to vector<16xi32>
        %select_n3A_405 = arith.select %gt3A_400, %broadcast_in_dim3A_403, %broadcast_in_dim3A_404 : vector<16xi1>, vector<16xi32>
        %add3A_406 = arith.addi %add3A_399, %select_n3A_405 : vector<16xi32>
        %gt3A_407 = arith.cmpf ogt, %get3A_369, %get3A_13 : vector<16xf32>
        %jit3A_408 = arith.constant 1 : i32
        %jit3A_409 = arith.constant 0 : i32
        %broadcast_in_dim3A_410 = vector.broadcast %jit3A_408 : i32 to vector<16xi32>
        %broadcast_in_dim3A_411 = vector.broadcast %jit3A_409 : i32 to vector<16xi32>
        %select_n3A_412 = arith.select %gt3A_407, %broadcast_in_dim3A_410, %broadcast_in_dim3A_411 : vector<16xi1>, vector<16xi32>
        %add3A_413 = arith.addi %add3A_406, %select_n3A_412 : vector<16xi32>
        %gt3A_414 = arith.cmpf ogt, %get3A_369, %get3A_15 : vector<16xf32>
        %jit3A_415 = arith.constant 1 : i32
        %jit3A_416 = arith.constant 0 : i32
        %broadcast_in_dim3A_417 = vector.broadcast %jit3A_415 : i32 to vector<16xi32>
        %broadcast_in_dim3A_418 = vector.broadcast %jit3A_416 : i32 to vector<16xi32>
        %select_n3A_419 = arith.select %gt3A_414, %broadcast_in_dim3A_417, %broadcast_in_dim3A_418 : vector<16xi1>, vector<16xi32>
        %add3A_420 = arith.addi %add3A_413, %select_n3A_419 : vector<16xi32>
        %gt3A_421 = arith.cmpf ogt, %get3A_369, %get3A_17 : vector<16xf32>
        %jit3A_422 = arith.constant 1 : i32
        %jit3A_423 = arith.constant 0 : i32
        %broadcast_in_dim3A_424 = vector.broadcast %jit3A_422 : i32 to vector<16xi32>
        %broadcast_in_dim3A_425 = vector.broadcast %jit3A_423 : i32 to vector<16xi32>
        %select_n3A_426 = arith.select %gt3A_421, %broadcast_in_dim3A_424, %broadcast_in_dim3A_425 : vector<16xi1>, vector<16xi32>
        %add3A_427 = arith.addi %add3A_420, %select_n3A_426 : vector<16xi32>
        %gt3A_428 = arith.cmpf ogt, %get3A_369, %get3A_19 : vector<16xf32>
        %jit3A_429 = arith.constant 1 : i32
        %jit3A_430 = arith.constant 0 : i32
        %broadcast_in_dim3A_431 = vector.broadcast %jit3A_429 : i32 to vector<16xi32>
        %broadcast_in_dim3A_432 = vector.broadcast %jit3A_430 : i32 to vector<16xi32>
        %select_n3A_433 = arith.select %gt3A_428, %broadcast_in_dim3A_431, %broadcast_in_dim3A_432 : vector<16xi1>, vector<16xi32>
        %add3A_434 = arith.addi %add3A_427, %select_n3A_433 : vector<16xi32>
        %gt3A_435 = arith.cmpf ogt, %get3A_369, %get3A_21 : vector<16xf32>
        %jit3A_436 = arith.constant 1 : i32
        %jit3A_437 = arith.constant 0 : i32
        %broadcast_in_dim3A_438 = vector.broadcast %jit3A_436 : i32 to vector<16xi32>
        %broadcast_in_dim3A_439 = vector.broadcast %jit3A_437 : i32 to vector<16xi32>
        %select_n3A_440 = arith.select %gt3A_435, %broadcast_in_dim3A_438, %broadcast_in_dim3A_439 : vector<16xi1>, vector<16xi32>
        %add3A_441 = arith.addi %add3A_434, %select_n3A_440 : vector<16xi32>
        %gt3A_442 = arith.cmpf ogt, %get3A_369, %get3A_23 : vector<16xf32>
        %jit3A_443 = arith.constant 1 : i32
        %jit3A_444 = arith.constant 0 : i32
        %broadcast_in_dim3A_445 = vector.broadcast %jit3A_443 : i32 to vector<16xi32>
        %broadcast_in_dim3A_446 = vector.broadcast %jit3A_444 : i32 to vector<16xi32>
        %select_n3A_447 = arith.select %gt3A_442, %broadcast_in_dim3A_445, %broadcast_in_dim3A_446 : vector<16xi1>, vector<16xi32>
        %add3A_448 = arith.addi %add3A_441, %select_n3A_447 : vector<16xi32>
        %swap3A_449 = arith.index_cast %mul3A_367 : i32 to index
        %swap3A_450 = tpu.vector_load %arg8[%swap3A_449] {strides = array<i32>} : memref<16384xi32, #tpu.memory_space<vmem>>, vector<16xi32>,
        tpu.vector_store %arg8[%swap3A_449], %add3A_448 {strides = array<i32>} : memref<16384xi32, #tpu.memory_space<vmem>>, vector<16xi32>,
      }
      %scan3A_60 = arith.constant 256 : i32
      %dma_start3A_61 = tpu.memref_slice %arg4[%add3A_51] : memref<4194304xi32, #tpu.memory_space<hbm>> -> memref<16384xi32, #tpu.memory_space<hbm>>
      %dma_start3A_62 = tpu.memref_slice %arg4[%add3A_51] : memref<4194304xi32, #tpu.memory_space<hbm>> -> memref<16384xi32, #tpu.memory_space<hbm>>
      tpu.enqueue_dma source(%arg8 : memref<16384xi32, #tpu.memory_space<vmem>>) target(%dma_start3A_62 : memref<16384xi32, #tpu.memory_space<hbm>>) target_semaphore(%arg12 : memref<!tpu.dma_semaphore, #tpu.memory_space<semaphore_mem>>)
      %add3A_63 = arith.constant 2 : i32
      %add3A_64 = arith.addi %add3A_48, %add3A_63 : i32
      %lt3A = arith.constant 8 : i32
      %lt3A_65 = arith.cmpi slt, %add3A_64, %lt3A : i32
      %convert_element_type3A_66 = arith.extui %lt3A_65 : i1 to i32
      %cond3A_67 = arith.constant 0 : i32
      %cond3A_68 = arith.cmpi ne, %convert_element_type3A_66, %cond3A_67 : i32
      scf.if %cond3A_68 {
        %add3A_95 = arith.constant 32768 : i32
        %add3A_96 = arith.addi %add3A_51, %add3A_95 : i32
        %dma_start3A_97 = tpu.memref_slice %arg2[%add3A_96] : memref<16777216xf32, #tpu.memory_space<hbm>> -> memref<16384xf32, #tpu.memory_space<hbm>>
        %dma_start3A_98 = tpu.memref_slice %arg2[%add3A_96] : memref<16777216xf32, #tpu.memory_space<hbm>> -> memref<16384xf32, #tpu.memory_space<hbm>>
        tpu.enqueue_dma source(%dma_start3A_98 : memref<16384xf32, #tpu.memory_space<hbm>>) target(%arg6 : memref<16384xf32, #tpu.memory_space<vmem>>) target_semaphore(%arg10 : memref<!tpu.dma_semaphore, #tpu.memory_space<semaphore_mem>>)
      } else {
      }
      %add3A_69 = arith.constant 1 : i32
      %add3A_70 = arith.addi %add3A_46, %add3A_69 : i32
      %mul3A_71 = arith.constant 16384 : i32
      %mul3A_72 = arith.muli %add3A_70, %mul3A_71 : i32
      %add3A_73 = arith.addi %mul3A_2, %mul3A_72 : i32
      %dma_wait3A_74 = tpu.memref_slice %arg2[%add3A_73] : memref<16777216xf32, #tpu.memory_space<hbm>> -> memref<16384xf32, #tpu.memory_space<hbm>>
      %dma_wait3A_75 = tpu.memref_slice %arg2[%add3A_73] : memref<16777216xf32, #tpu.memory_space<hbm>> -> memref<16384xf32, #tpu.memory_space<hbm>>
      tpu.wait_dma2 semaphore(%arg11 : memref<!tpu.dma_semaphore, #tpu.memory_space<semaphore_mem>>) src(%dma_wait3A_75 : memref<16384xf32, #tpu.memory_space<hbm>>) dst(%arg7 : memref<16384xf32, #tpu.memory_space<vmem>>)
      %ge3A_76 = arith.constant 2 : i32
      %ge3A_77 = arith.cmpi sge, %add3A_70, %ge3A_76 : i32
      %convert_element_type3A_78 = arith.extui %ge3A_77 : i1 to i32
      %cond3A_79 = arith.constant 0 : i32
      %cond3A_80 = arith.cmpi ne, %convert_element_type3A_78, %cond3A_79 : i32
      scf.if %cond3A_80 {
        %sub3A = arith.constant 32768 : i32
        %sub3A_95 = arith.subi %add3A_73, %sub3A : i32
        %dma_wait3A_96 = tpu.memref_slice %arg4[%sub3A_95] : memref<4194304xi32, #tpu.memory_space<hbm>> -> memref<16384xi32, #tpu.memory_space<hbm>>
        %dma_wait3A_97 = tpu.memref_slice %arg4[%sub3A_95] : memref<4194304xi32, #tpu.memory_space<hbm>> -> memref<16384xi32, #tpu.memory_space<hbm>>
        tpu.wait_dma2 semaphore(%arg13 : memref<!tpu.dma_semaphore, #tpu.memory_space<semaphore_mem>>) src(%arg9 : memref<16384xi32, #tpu.memory_space<vmem>>) dst(%dma_wait3A_97 : memref<16384xi32, #tpu.memory_space<hbm>>)
      } else {
      }
      %scan3A_81 = arith.constant 0 : i32
      %scan3A_82 = arith.constant 256 : i32
      %scan3A_83 = arith.addi %scan3A_81, %scan3A_82 : i32
      %scan3A_84 = arith.constant 1 : i32
      scf.for %scan3A_95 = %scan3A_81 to %scan3A_83 step %scan3A_84  : i32 {
        %mul3A_96 = arith.constant 1 : i32
        %mul3A_97 = arith.muli %scan3A_95, %mul3A_96 : i32
        %add3A_98 = arith.constant 0 : i32
        %add3A_99 = arith.addi %add3A_98, %mul3A_97 : i32
        %mul3A_100 = arith.constant 4 : i32
        %mul3A_101 = arith.muli %add3A_99, %mul3A_100 : i32
        %add3A_102 = arith.constant 0 : i32
        %add3A_103 = arith.addi %mul3A_101, %add3A_102 : i32
        %mul3A_104 = arith.constant 16 : i32
        %mul3A_105 = arith.muli %add3A_103, %mul3A_104 : i32
        %get3A_106 = arith.index_cast %mul3A_105 : i32 to index
        %get3A_107 = tpu.vector_load %arg7[%get3A_106] {strides = array<i32>} : memref<16384xf32, #tpu.memory_space<vmem>>, vector<16xf32>,
        %broadcast_in_dim3A = arith.constant 0 : i32
        %broadcast_in_dim3A_108 = vector.broadcast %broadcast_in_dim3A : i32 to vector<16xi32>
        %gt3A = arith.cmpf ogt, %get3A_107, %get3A_3 : vector<16xf32>
        %jit3A = arith.constant 1 : i32
        %jit3A_109 = arith.constant 0 : i32
        %broadcast_in_dim3A_110 = vector.broadcast %jit3A : i32 to vector<16xi32>
        %broadcast_in_dim3A_111 = vector.broadcast %jit3A_109 : i32 to vector<16xi32>
        %select_n3A = arith.select %gt3A, %broadcast_in_dim3A_110, %broadcast_in_dim3A_111 : vector<16xi1>, vector<16xi32>
        %add3A_112 = arith.addi %broadcast_in_dim3A_108, %select_n3A : vector<16xi32>
        %gt3A_113 = arith.cmpf ogt, %get3A_107, %get3A_5 : vector<16xf32>
        %jit3A_114 = arith.constant 1 : i32
        %jit3A_115 = arith.constant 0 : i32
        %broadcast_in_dim3A_116 = vector.broadcast %jit3A_114 : i32 to vector<16xi32>
        %broadcast_in_dim3A_117 = vector.broadcast %jit3A_115 : i32 to vector<16xi32>
        %select_n3A_118 = arith.select %gt3A_113, %broadcast_in_dim3A_116, %broadcast_in_dim3A_117 : vector<16xi1>, vector<16xi32>
        %add3A_119 = arith.addi %add3A_112, %select_n3A_118 : vector<16xi32>
        %gt3A_120 = arith.cmpf ogt, %get3A_107, %get3A_7 : vector<16xf32>
        %jit3A_121 = arith.constant 1 : i32
        %jit3A_122 = arith.constant 0 : i32
        %broadcast_in_dim3A_123 = vector.broadcast %jit3A_121 : i32 to vector<16xi32>
        %broadcast_in_dim3A_124 = vector.broadcast %jit3A_122 : i32 to vector<16xi32>
        %select_n3A_125 = arith.select %gt3A_120, %broadcast_in_dim3A_123, %broadcast_in_dim3A_124 : vector<16xi1>, vector<16xi32>
        %add3A_126 = arith.addi %add3A_119, %select_n3A_125 : vector<16xi32>
        %gt3A_127 = arith.cmpf ogt, %get3A_107, %get3A_9 : vector<16xf32>
        %jit3A_128 = arith.constant 1 : i32
        %jit3A_129 = arith.constant 0 : i32
        %broadcast_in_dim3A_130 = vector.broadcast %jit3A_128 : i32 to vector<16xi32>
        %broadcast_in_dim3A_131 = vector.broadcast %jit3A_129 : i32 to vector<16xi32>
        %select_n3A_132 = arith.select %gt3A_127, %broadcast_in_dim3A_130, %broadcast_in_dim3A_131 : vector<16xi1>, vector<16xi32>
        %add3A_133 = arith.addi %add3A_126, %select_n3A_132 : vector<16xi32>
        %gt3A_134 = arith.cmpf ogt, %get3A_107, %get3A_11 : vector<16xf32>
        %jit3A_135 = arith.constant 1 : i32
        %jit3A_136 = arith.constant 0 : i32
        %broadcast_in_dim3A_137 = vector.broadcast %jit3A_135 : i32 to vector<16xi32>
        %broadcast_in_dim3A_138 = vector.broadcast %jit3A_136 : i32 to vector<16xi32>
        %select_n3A_139 = arith.select %gt3A_134, %broadcast_in_dim3A_137, %broadcast_in_dim3A_138 : vector<16xi1>, vector<16xi32>
        %add3A_140 = arith.addi %add3A_133, %select_n3A_139 : vector<16xi32>
        %gt3A_141 = arith.cmpf ogt, %get3A_107, %get3A_13 : vector<16xf32>
        %jit3A_142 = arith.constant 1 : i32
        %jit3A_143 = arith.constant 0 : i32
        %broadcast_in_dim3A_144 = vector.broadcast %jit3A_142 : i32 to vector<16xi32>
        %broadcast_in_dim3A_145 = vector.broadcast %jit3A_143 : i32 to vector<16xi32>
        %select_n3A_146 = arith.select %gt3A_141, %broadcast_in_dim3A_144, %broadcast_in_dim3A_145 : vector<16xi1>, vector<16xi32>
        %add3A_147 = arith.addi %add3A_140, %select_n3A_146 : vector<16xi32>
        %gt3A_148 = arith.cmpf ogt, %get3A_107, %get3A_15 : vector<16xf32>
        %jit3A_149 = arith.constant 1 : i32
        %jit3A_150 = arith.constant 0 : i32
        %broadcast_in_dim3A_151 = vector.broadcast %jit3A_149 : i32 to vector<16xi32>
        %broadcast_in_dim3A_152 = vector.broadcast %jit3A_150 : i32 to vector<16xi32>
        %select_n3A_153 = arith.select %gt3A_148, %broadcast_in_dim3A_151, %broadcast_in_dim3A_152 : vector<16xi1>, vector<16xi32>
        %add3A_154 = arith.addi %add3A_147, %select_n3A_153 : vector<16xi32>
        %gt3A_155 = arith.cmpf ogt, %get3A_107, %get3A_17 : vector<16xf32>
        %jit3A_156 = arith.constant 1 : i32
        %jit3A_157 = arith.constant 0 : i32
        %broadcast_in_dim3A_158 = vector.broadcast %jit3A_156 : i32 to vector<16xi32>
        %broadcast_in_dim3A_159 = vector.broadcast %jit3A_157 : i32 to vector<16xi32>
        %select_n3A_160 = arith.select %gt3A_155, %broadcast_in_dim3A_158, %broadcast_in_dim3A_159 : vector<16xi1>, vector<16xi32>
        %add3A_161 = arith.addi %add3A_154, %select_n3A_160 : vector<16xi32>
        %gt3A_162 = arith.cmpf ogt, %get3A_107, %get3A_19 : vector<16xf32>
        %jit3A_163 = arith.constant 1 : i32
        %jit3A_164 = arith.constant 0 : i32
        %broadcast_in_dim3A_165 = vector.broadcast %jit3A_163 : i32 to vector<16xi32>
        %broadcast_in_dim3A_166 = vector.broadcast %jit3A_164 : i32 to vector<16xi32>
        %select_n3A_167 = arith.select %gt3A_162, %broadcast_in_dim3A_165, %broadcast_in_dim3A_166 : vector<16xi1>, vector<16xi32>
        %add3A_168 = arith.addi %add3A_161, %select_n3A_167 : vector<16xi32>
        %gt3A_169 = arith.cmpf ogt, %get3A_107, %get3A_21 : vector<16xf32>
        %jit3A_170 = arith.constant 1 : i32
        %jit3A_171 = arith.constant 0 : i32
        %broadcast_in_dim3A_172 = vector.broadcast %jit3A_170 : i32 to vector<16xi32>
        %broadcast_in_dim3A_173 = vector.broadcast %jit3A_171 : i32 to vector<16xi32>
        %select_n3A_174 = arith.select %gt3A_169, %broadcast_in_dim3A_172, %broadcast_in_dim3A_173 : vector<16xi1>, vector<16xi32>
        %add3A_175 = arith.addi %add3A_168, %select_n3A_174 : vector<16xi32>
        %gt3A_176 = arith.cmpf ogt, %get3A_107, %get3A_23 : vector<16xf32>
        %jit3A_177 = arith.constant 1 : i32
        %jit3A_178 = arith.constant 0 : i32
        %broadcast_in_dim3A_179 = vector.broadcast %jit3A_177 : i32 to vector<16xi32>
        %broadcast_in_dim3A_180 = vector.broadcast %jit3A_178 : i32 to vector<16xi32>
        %select_n3A_181 = arith.select %gt3A_176, %broadcast_in_dim3A_179, %broadcast_in_dim3A_180 : vector<16xi1>, vector<16xi32>
        %add3A_182 = arith.addi %add3A_175, %select_n3A_181 : vector<16xi32>
        %swap3A = arith.index_cast %mul3A_105 : i32 to index
        %swap3A_183 = tpu.vector_load %arg9[%swap3A] {strides = array<i32>} : memref<16384xi32, #tpu.memory_space<vmem>>, vector<16xi32>,
        tpu.vector_store %arg9[%swap3A], %add3A_182 {strides = array<i32>} : memref<16384xi32, #tpu.memory_space<vmem>>, vector<16xi32>,
        %mul3A_184 = arith.constant 4 : i32
        %mul3A_185 = arith.muli %add3A_99, %mul3A_184 : i32
        %add3A_186 = arith.constant 1 : i32
        %add3A_187 = arith.addi %mul3A_185, %add3A_186 : i32
        %mul3A_188 = arith.constant 16 : i32
        %mul3A_189 = arith.muli %add3A_187, %mul3A_188 : i32
        %get3A_190 = arith.index_cast %mul3A_189 : i32 to index
        %get3A_191 = tpu.vector_load %arg7[%get3A_190] {strides = array<i32>} : memref<16384xf32, #tpu.memory_space<vmem>>, vector<16xf32>,
        %broadcast_in_dim3A_192 = arith.constant 0 : i32
        %broadcast_in_dim3A_193 = vector.broadcast %broadcast_in_dim3A_192 : i32 to vector<16xi32>
        %gt3A_194 = arith.cmpf ogt, %get3A_191, %get3A_3 : vector<16xf32>
        %jit3A_195 = arith.constant 1 : i32
        %jit3A_196 = arith.constant 0 : i32
        %broadcast_in_dim3A_197 = vector.broadcast %jit3A_195 : i32 to vector<16xi32>
        %broadcast_in_dim3A_198 = vector.broadcast %jit3A_196 : i32 to vector<16xi32>
        %select_n3A_199 = arith.select %gt3A_194, %broadcast_in_dim3A_197, %broadcast_in_dim3A_198 : vector<16xi1>, vector<16xi32>
        %add3A_200 = arith.addi %broadcast_in_dim3A_193, %select_n3A_199 : vector<16xi32>
        %gt3A_201 = arith.cmpf ogt, %get3A_191, %get3A_5 : vector<16xf32>
        %jit3A_202 = arith.constant 1 : i32
        %jit3A_203 = arith.constant 0 : i32
        %broadcast_in_dim3A_204 = vector.broadcast %jit3A_202 : i32 to vector<16xi32>
        %broadcast_in_dim3A_205 = vector.broadcast %jit3A_203 : i32 to vector<16xi32>
        %select_n3A_206 = arith.select %gt3A_201, %broadcast_in_dim3A_204, %broadcast_in_dim3A_205 : vector<16xi1>, vector<16xi32>
        %add3A_207 = arith.addi %add3A_200, %select_n3A_206 : vector<16xi32>
        %gt3A_208 = arith.cmpf ogt, %get3A_191, %get3A_7 : vector<16xf32>
        %jit3A_209 = arith.constant 1 : i32
        %jit3A_210 = arith.constant 0 : i32
        %broadcast_in_dim3A_211 = vector.broadcast %jit3A_209 : i32 to vector<16xi32>
        %broadcast_in_dim3A_212 = vector.broadcast %jit3A_210 : i32 to vector<16xi32>
        %select_n3A_213 = arith.select %gt3A_208, %broadcast_in_dim3A_211, %broadcast_in_dim3A_212 : vector<16xi1>, vector<16xi32>
        %add3A_214 = arith.addi %add3A_207, %select_n3A_213 : vector<16xi32>
        %gt3A_215 = arith.cmpf ogt, %get3A_191, %get3A_9 : vector<16xf32>
        %jit3A_216 = arith.constant 1 : i32
        %jit3A_217 = arith.constant 0 : i32
        %broadcast_in_dim3A_218 = vector.broadcast %jit3A_216 : i32 to vector<16xi32>
        %broadcast_in_dim3A_219 = vector.broadcast %jit3A_217 : i32 to vector<16xi32>
        %select_n3A_220 = arith.select %gt3A_215, %broadcast_in_dim3A_218, %broadcast_in_dim3A_219 : vector<16xi1>, vector<16xi32>
        %add3A_221 = arith.addi %add3A_214, %select_n3A_220 : vector<16xi32>
        %gt3A_222 = arith.cmpf ogt, %get3A_191, %get3A_11 : vector<16xf32>
        %jit3A_223 = arith.constant 1 : i32
        %jit3A_224 = arith.constant 0 : i32
        %broadcast_in_dim3A_225 = vector.broadcast %jit3A_223 : i32 to vector<16xi32>
        %broadcast_in_dim3A_226 = vector.broadcast %jit3A_224 : i32 to vector<16xi32>
        %select_n3A_227 = arith.select %gt3A_222, %broadcast_in_dim3A_225, %broadcast_in_dim3A_226 : vector<16xi1>, vector<16xi32>
        %add3A_228 = arith.addi %add3A_221, %select_n3A_227 : vector<16xi32>
        %gt3A_229 = arith.cmpf ogt, %get3A_191, %get3A_13 : vector<16xf32>
        %jit3A_230 = arith.constant 1 : i32
        %jit3A_231 = arith.constant 0 : i32
        %broadcast_in_dim3A_232 = vector.broadcast %jit3A_230 : i32 to vector<16xi32>
        %broadcast_in_dim3A_233 = vector.broadcast %jit3A_231 : i32 to vector<16xi32>
        %select_n3A_234 = arith.select %gt3A_229, %broadcast_in_dim3A_232, %broadcast_in_dim3A_233 : vector<16xi1>, vector<16xi32>
        %add3A_235 = arith.addi %add3A_228, %select_n3A_234 : vector<16xi32>
        %gt3A_236 = arith.cmpf ogt, %get3A_191, %get3A_15 : vector<16xf32>
        %jit3A_237 = arith.constant 1 : i32
        %jit3A_238 = arith.constant 0 : i32
        %broadcast_in_dim3A_239 = vector.broadcast %jit3A_237 : i32 to vector<16xi32>
        %broadcast_in_dim3A_240 = vector.broadcast %jit3A_238 : i32 to vector<16xi32>
        %select_n3A_241 = arith.select %gt3A_236, %broadcast_in_dim3A_239, %broadcast_in_dim3A_240 : vector<16xi1>, vector<16xi32>
        %add3A_242 = arith.addi %add3A_235, %select_n3A_241 : vector<16xi32>
        %gt3A_243 = arith.cmpf ogt, %get3A_191, %get3A_17 : vector<16xf32>
        %jit3A_244 = arith.constant 1 : i32
        %jit3A_245 = arith.constant 0 : i32
        %broadcast_in_dim3A_246 = vector.broadcast %jit3A_244 : i32 to vector<16xi32>
        %broadcast_in_dim3A_247 = vector.broadcast %jit3A_245 : i32 to vector<16xi32>
        %select_n3A_248 = arith.select %gt3A_243, %broadcast_in_dim3A_246, %broadcast_in_dim3A_247 : vector<16xi1>, vector<16xi32>
        %add3A_249 = arith.addi %add3A_242, %select_n3A_248 : vector<16xi32>
        %gt3A_250 = arith.cmpf ogt, %get3A_191, %get3A_19 : vector<16xf32>
        %jit3A_251 = arith.constant 1 : i32
        %jit3A_252 = arith.constant 0 : i32
        %broadcast_in_dim3A_253 = vector.broadcast %jit3A_251 : i32 to vector<16xi32>
        %broadcast_in_dim3A_254 = vector.broadcast %jit3A_252 : i32 to vector<16xi32>
        %select_n3A_255 = arith.select %gt3A_250, %broadcast_in_dim3A_253, %broadcast_in_dim3A_254 : vector<16xi1>, vector<16xi32>
        %add3A_256 = arith.addi %add3A_249, %select_n3A_255 : vector<16xi32>
        %gt3A_257 = arith.cmpf ogt, %get3A_191, %get3A_21 : vector<16xf32>
        %jit3A_258 = arith.constant 1 : i32
        %jit3A_259 = arith.constant 0 : i32
        %broadcast_in_dim3A_260 = vector.broadcast %jit3A_258 : i32 to vector<16xi32>
        %broadcast_in_dim3A_261 = vector.broadcast %jit3A_259 : i32 to vector<16xi32>
        %select_n3A_262 = arith.select %gt3A_257, %broadcast_in_dim3A_260, %broadcast_in_dim3A_261 : vector<16xi1>, vector<16xi32>
        %add3A_263 = arith.addi %add3A_256, %select_n3A_262 : vector<16xi32>
        %gt3A_264 = arith.cmpf ogt, %get3A_191, %get3A_23 : vector<16xf32>
        %jit3A_265 = arith.constant 1 : i32
        %jit3A_266 = arith.constant 0 : i32
        %broadcast_in_dim3A_267 = vector.broadcast %jit3A_265 : i32 to vector<16xi32>
        %broadcast_in_dim3A_268 = vector.broadcast %jit3A_266 : i32 to vector<16xi32>
        %select_n3A_269 = arith.select %gt3A_264, %broadcast_in_dim3A_267, %broadcast_in_dim3A_268 : vector<16xi1>, vector<16xi32>
        %add3A_270 = arith.addi %add3A_263, %select_n3A_269 : vector<16xi32>
        %swap3A_271 = arith.index_cast %mul3A_189 : i32 to index
        %swap3A_272 = tpu.vector_load %arg9[%swap3A_271] {strides = array<i32>} : memref<16384xi32, #tpu.memory_space<vmem>>, vector<16xi32>,
        tpu.vector_store %arg9[%swap3A_271], %add3A_270 {strides = array<i32>} : memref<16384xi32, #tpu.memory_space<vmem>>, vector<16xi32>,
        %mul3A_273 = arith.constant 4 : i32
        %mul3A_274 = arith.muli %add3A_99, %mul3A_273 : i32
        %add3A_275 = arith.constant 2 : i32
        %add3A_276 = arith.addi %mul3A_274, %add3A_275 : i32
        %mul3A_277 = arith.constant 16 : i32
        %mul3A_278 = arith.muli %add3A_276, %mul3A_277 : i32
        %get3A_279 = arith.index_cast %mul3A_278 : i32 to index
        %get3A_280 = tpu.vector_load %arg7[%get3A_279] {strides = array<i32>} : memref<16384xf32, #tpu.memory_space<vmem>>, vector<16xf32>,
        %broadcast_in_dim3A_281 = arith.constant 0 : i32
        %broadcast_in_dim3A_282 = vector.broadcast %broadcast_in_dim3A_281 : i32 to vector<16xi32>
        %gt3A_283 = arith.cmpf ogt, %get3A_280, %get3A_3 : vector<16xf32>
        %jit3A_284 = arith.constant 1 : i32
        %jit3A_285 = arith.constant 0 : i32
        %broadcast_in_dim3A_286 = vector.broadcast %jit3A_284 : i32 to vector<16xi32>
        %broadcast_in_dim3A_287 = vector.broadcast %jit3A_285 : i32 to vector<16xi32>
        %select_n3A_288 = arith.select %gt3A_283, %broadcast_in_dim3A_286, %broadcast_in_dim3A_287 : vector<16xi1>, vector<16xi32>
        %add3A_289 = arith.addi %broadcast_in_dim3A_282, %select_n3A_288 : vector<16xi32>
        %gt3A_290 = arith.cmpf ogt, %get3A_280, %get3A_5 : vector<16xf32>
        %jit3A_291 = arith.constant 1 : i32
        %jit3A_292 = arith.constant 0 : i32
        %broadcast_in_dim3A_293 = vector.broadcast %jit3A_291 : i32 to vector<16xi32>
        %broadcast_in_dim3A_294 = vector.broadcast %jit3A_292 : i32 to vector<16xi32>
        %select_n3A_295 = arith.select %gt3A_290, %broadcast_in_dim3A_293, %broadcast_in_dim3A_294 : vector<16xi1>, vector<16xi32>
        %add3A_296 = arith.addi %add3A_289, %select_n3A_295 : vector<16xi32>
        %gt3A_297 = arith.cmpf ogt, %get3A_280, %get3A_7 : vector<16xf32>
        %jit3A_298 = arith.constant 1 : i32
        %jit3A_299 = arith.constant 0 : i32
        %broadcast_in_dim3A_300 = vector.broadcast %jit3A_298 : i32 to vector<16xi32>
        %broadcast_in_dim3A_301 = vector.broadcast %jit3A_299 : i32 to vector<16xi32>
        %select_n3A_302 = arith.select %gt3A_297, %broadcast_in_dim3A_300, %broadcast_in_dim3A_301 : vector<16xi1>, vector<16xi32>
        %add3A_303 = arith.addi %add3A_296, %select_n3A_302 : vector<16xi32>
        %gt3A_304 = arith.cmpf ogt, %get3A_280, %get3A_9 : vector<16xf32>
        %jit3A_305 = arith.constant 1 : i32
        %jit3A_306 = arith.constant 0 : i32
        %broadcast_in_dim3A_307 = vector.broadcast %jit3A_305 : i32 to vector<16xi32>
        %broadcast_in_dim3A_308 = vector.broadcast %jit3A_306 : i32 to vector<16xi32>
        %select_n3A_309 = arith.select %gt3A_304, %broadcast_in_dim3A_307, %broadcast_in_dim3A_308 : vector<16xi1>, vector<16xi32>
        %add3A_310 = arith.addi %add3A_303, %select_n3A_309 : vector<16xi32>
        %gt3A_311 = arith.cmpf ogt, %get3A_280, %get3A_11 : vector<16xf32>
        %jit3A_312 = arith.constant 1 : i32
        %jit3A_313 = arith.constant 0 : i32
        %broadcast_in_dim3A_314 = vector.broadcast %jit3A_312 : i32 to vector<16xi32>
        %broadcast_in_dim3A_315 = vector.broadcast %jit3A_313 : i32 to vector<16xi32>
        %select_n3A_316 = arith.select %gt3A_311, %broadcast_in_dim3A_314, %broadcast_in_dim3A_315 : vector<16xi1>, vector<16xi32>
        %add3A_317 = arith.addi %add3A_310, %select_n3A_316 : vector<16xi32>
        %gt3A_318 = arith.cmpf ogt, %get3A_280, %get3A_13 : vector<16xf32>
        %jit3A_319 = arith.constant 1 : i32
        %jit3A_320 = arith.constant 0 : i32
        %broadcast_in_dim3A_321 = vector.broadcast %jit3A_319 : i32 to vector<16xi32>
        %broadcast_in_dim3A_322 = vector.broadcast %jit3A_320 : i32 to vector<16xi32>
        %select_n3A_323 = arith.select %gt3A_318, %broadcast_in_dim3A_321, %broadcast_in_dim3A_322 : vector<16xi1>, vector<16xi32>
        %add3A_324 = arith.addi %add3A_317, %select_n3A_323 : vector<16xi32>
        %gt3A_325 = arith.cmpf ogt, %get3A_280, %get3A_15 : vector<16xf32>
        %jit3A_326 = arith.constant 1 : i32
        %jit3A_327 = arith.constant 0 : i32
        %broadcast_in_dim3A_328 = vector.broadcast %jit3A_326 : i32 to vector<16xi32>
        %broadcast_in_dim3A_329 = vector.broadcast %jit3A_327 : i32 to vector<16xi32>
        %select_n3A_330 = arith.select %gt3A_325, %broadcast_in_dim3A_328, %broadcast_in_dim3A_329 : vector<16xi1>, vector<16xi32>
        %add3A_331 = arith.addi %add3A_324, %select_n3A_330 : vector<16xi32>
        %gt3A_332 = arith.cmpf ogt, %get3A_280, %get3A_17 : vector<16xf32>
        %jit3A_333 = arith.constant 1 : i32
        %jit3A_334 = arith.constant 0 : i32
        %broadcast_in_dim3A_335 = vector.broadcast %jit3A_333 : i32 to vector<16xi32>
        %broadcast_in_dim3A_336 = vector.broadcast %jit3A_334 : i32 to vector<16xi32>
        %select_n3A_337 = arith.select %gt3A_332, %broadcast_in_dim3A_335, %broadcast_in_dim3A_336 : vector<16xi1>, vector<16xi32>
        %add3A_338 = arith.addi %add3A_331, %select_n3A_337 : vector<16xi32>
        %gt3A_339 = arith.cmpf ogt, %get3A_280, %get3A_19 : vector<16xf32>
        %jit3A_340 = arith.constant 1 : i32
        %jit3A_341 = arith.constant 0 : i32
        %broadcast_in_dim3A_342 = vector.broadcast %jit3A_340 : i32 to vector<16xi32>
        %broadcast_in_dim3A_343 = vector.broadcast %jit3A_341 : i32 to vector<16xi32>
        %select_n3A_344 = arith.select %gt3A_339, %broadcast_in_dim3A_342, %broadcast_in_dim3A_343 : vector<16xi1>, vector<16xi32>
        %add3A_345 = arith.addi %add3A_338, %select_n3A_344 : vector<16xi32>
        %gt3A_346 = arith.cmpf ogt, %get3A_280, %get3A_21 : vector<16xf32>
        %jit3A_347 = arith.constant 1 : i32
        %jit3A_348 = arith.constant 0 : i32
        %broadcast_in_dim3A_349 = vector.broadcast %jit3A_347 : i32 to vector<16xi32>
        %broadcast_in_dim3A_350 = vector.broadcast %jit3A_348 : i32 to vector<16xi32>
        %select_n3A_351 = arith.select %gt3A_346, %broadcast_in_dim3A_349, %broadcast_in_dim3A_350 : vector<16xi1>, vector<16xi32>
        %add3A_352 = arith.addi %add3A_345, %select_n3A_351 : vector<16xi32>
        %gt3A_353 = arith.cmpf ogt, %get3A_280, %get3A_23 : vector<16xf32>
        %jit3A_354 = arith.constant 1 : i32
        %jit3A_355 = arith.constant 0 : i32
        %broadcast_in_dim3A_356 = vector.broadcast %jit3A_354 : i32 to vector<16xi32>
        %broadcast_in_dim3A_357 = vector.broadcast %jit3A_355 : i32 to vector<16xi32>
        %select_n3A_358 = arith.select %gt3A_353, %broadcast_in_dim3A_356, %broadcast_in_dim3A_357 : vector<16xi1>, vector<16xi32>
        %add3A_359 = arith.addi %add3A_352, %select_n3A_358 : vector<16xi32>
        %swap3A_360 = arith.index_cast %mul3A_278 : i32 to index
        %swap3A_361 = tpu.vector_load %arg9[%swap3A_360] {strides = array<i32>} : memref<16384xi32, #tpu.memory_space<vmem>>, vector<16xi32>,
        tpu.vector_store %arg9[%swap3A_360], %add3A_359 {strides = array<i32>} : memref<16384xi32, #tpu.memory_space<vmem>>, vector<16xi32>,
        %mul3A_362 = arith.constant 4 : i32
        %mul3A_363 = arith.muli %add3A_99, %mul3A_362 : i32
        %add3A_364 = arith.constant 3 : i32
        %add3A_365 = arith.addi %mul3A_363, %add3A_364 : i32
        %mul3A_366 = arith.constant 16 : i32
        %mul3A_367 = arith.muli %add3A_365, %mul3A_366 : i32
        %get3A_368 = arith.index_cast %mul3A_367 : i32 to index
        %get3A_369 = tpu.vector_load %arg7[%get3A_368] {strides = array<i32>} : memref<16384xf32, #tpu.memory_space<vmem>>, vector<16xf32>,
        %broadcast_in_dim3A_370 = arith.constant 0 : i32
        %broadcast_in_dim3A_371 = vector.broadcast %broadcast_in_dim3A_370 : i32 to vector<16xi32>
        %gt3A_372 = arith.cmpf ogt, %get3A_369, %get3A_3 : vector<16xf32>
        %jit3A_373 = arith.constant 1 : i32
        %jit3A_374 = arith.constant 0 : i32
        %broadcast_in_dim3A_375 = vector.broadcast %jit3A_373 : i32 to vector<16xi32>
        %broadcast_in_dim3A_376 = vector.broadcast %jit3A_374 : i32 to vector<16xi32>
        %select_n3A_377 = arith.select %gt3A_372, %broadcast_in_dim3A_375, %broadcast_in_dim3A_376 : vector<16xi1>, vector<16xi32>
        %add3A_378 = arith.addi %broadcast_in_dim3A_371, %select_n3A_377 : vector<16xi32>
        %gt3A_379 = arith.cmpf ogt, %get3A_369, %get3A_5 : vector<16xf32>
        %jit3A_380 = arith.constant 1 : i32
        %jit3A_381 = arith.constant 0 : i32
        %broadcast_in_dim3A_382 = vector.broadcast %jit3A_380 : i32 to vector<16xi32>
        %broadcast_in_dim3A_383 = vector.broadcast %jit3A_381 : i32 to vector<16xi32>
        %select_n3A_384 = arith.select %gt3A_379, %broadcast_in_dim3A_382, %broadcast_in_dim3A_383 : vector<16xi1>, vector<16xi32>
        %add3A_385 = arith.addi %add3A_378, %select_n3A_384 : vector<16xi32>
        %gt3A_386 = arith.cmpf ogt, %get3A_369, %get3A_7 : vector<16xf32>
        %jit3A_387 = arith.constant 1 : i32
        %jit3A_388 = arith.constant 0 : i32
        %broadcast_in_dim3A_389 = vector.broadcast %jit3A_387 : i32 to vector<16xi32>
        %broadcast_in_dim3A_390 = vector.broadcast %jit3A_388 : i32 to vector<16xi32>
        %select_n3A_391 = arith.select %gt3A_386, %broadcast_in_dim3A_389, %broadcast_in_dim3A_390 : vector<16xi1>, vector<16xi32>
        %add3A_392 = arith.addi %add3A_385, %select_n3A_391 : vector<16xi32>
        %gt3A_393 = arith.cmpf ogt, %get3A_369, %get3A_9 : vector<16xf32>
        %jit3A_394 = arith.constant 1 : i32
        %jit3A_395 = arith.constant 0 : i32
        %broadcast_in_dim3A_396 = vector.broadcast %jit3A_394 : i32 to vector<16xi32>
        %broadcast_in_dim3A_397 = vector.broadcast %jit3A_395 : i32 to vector<16xi32>
        %select_n3A_398 = arith.select %gt3A_393, %broadcast_in_dim3A_396, %broadcast_in_dim3A_397 : vector<16xi1>, vector<16xi32>
        %add3A_399 = arith.addi %add3A_392, %select_n3A_398 : vector<16xi32>
        %gt3A_400 = arith.cmpf ogt, %get3A_369, %get3A_11 : vector<16xf32>
        %jit3A_401 = arith.constant 1 : i32
        %jit3A_402 = arith.constant 0 : i32
        %broadcast_in_dim3A_403 = vector.broadcast %jit3A_401 : i32 to vector<16xi32>
        %broadcast_in_dim3A_404 = vector.broadcast %jit3A_402 : i32 to vector<16xi32>
        %select_n3A_405 = arith.select %gt3A_400, %broadcast_in_dim3A_403, %broadcast_in_dim3A_404 : vector<16xi1>, vector<16xi32>
        %add3A_406 = arith.addi %add3A_399, %select_n3A_405 : vector<16xi32>
        %gt3A_407 = arith.cmpf ogt, %get3A_369, %get3A_13 : vector<16xf32>
        %jit3A_408 = arith.constant 1 : i32
        %jit3A_409 = arith.constant 0 : i32
        %broadcast_in_dim3A_410 = vector.broadcast %jit3A_408 : i32 to vector<16xi32>
        %broadcast_in_dim3A_411 = vector.broadcast %jit3A_409 : i32 to vector<16xi32>
        %select_n3A_412 = arith.select %gt3A_407, %broadcast_in_dim3A_410, %broadcast_in_dim3A_411 : vector<16xi1>, vector<16xi32>
        %add3A_413 = arith.addi %add3A_406, %select_n3A_412 : vector<16xi32>
        %gt3A_414 = arith.cmpf ogt, %get3A_369, %get3A_15 : vector<16xf32>
        %jit3A_415 = arith.constant 1 : i32
        %jit3A_416 = arith.constant 0 : i32
        %broadcast_in_dim3A_417 = vector.broadcast %jit3A_415 : i32 to vector<16xi32>
        %broadcast_in_dim3A_418 = vector.broadcast %jit3A_416 : i32 to vector<16xi32>
        %select_n3A_419 = arith.select %gt3A_414, %broadcast_in_dim3A_417, %broadcast_in_dim3A_418 : vector<16xi1>, vector<16xi32>
        %add3A_420 = arith.addi %add3A_413, %select_n3A_419 : vector<16xi32>
        %gt3A_421 = arith.cmpf ogt, %get3A_369, %get3A_17 : vector<16xf32>
        %jit3A_422 = arith.constant 1 : i32
        %jit3A_423 = arith.constant 0 : i32
        %broadcast_in_dim3A_424 = vector.broadcast %jit3A_422 : i32 to vector<16xi32>
        %broadcast_in_dim3A_425 = vector.broadcast %jit3A_423 : i32 to vector<16xi32>
        %select_n3A_426 = arith.select %gt3A_421, %broadcast_in_dim3A_424, %broadcast_in_dim3A_425 : vector<16xi1>, vector<16xi32>
        %add3A_427 = arith.addi %add3A_420, %select_n3A_426 : vector<16xi32>
        %gt3A_428 = arith.cmpf ogt, %get3A_369, %get3A_19 : vector<16xf32>
        %jit3A_429 = arith.constant 1 : i32
        %jit3A_430 = arith.constant 0 : i32
        %broadcast_in_dim3A_431 = vector.broadcast %jit3A_429 : i32 to vector<16xi32>
        %broadcast_in_dim3A_432 = vector.broadcast %jit3A_430 : i32 to vector<16xi32>
        %select_n3A_433 = arith.select %gt3A_428, %broadcast_in_dim3A_431, %broadcast_in_dim3A_432 : vector<16xi1>, vector<16xi32>
        %add3A_434 = arith.addi %add3A_427, %select_n3A_433 : vector<16xi32>
        %gt3A_435 = arith.cmpf ogt, %get3A_369, %get3A_21 : vector<16xf32>
        %jit3A_436 = arith.constant 1 : i32
        %jit3A_437 = arith.constant 0 : i32
        %broadcast_in_dim3A_438 = vector.broadcast %jit3A_436 : i32 to vector<16xi32>
        %broadcast_in_dim3A_439 = vector.broadcast %jit3A_437 : i32 to vector<16xi32>
        %select_n3A_440 = arith.select %gt3A_435, %broadcast_in_dim3A_438, %broadcast_in_dim3A_439 : vector<16xi1>, vector<16xi32>
        %add3A_441 = arith.addi %add3A_434, %select_n3A_440 : vector<16xi32>
        %gt3A_442 = arith.cmpf ogt, %get3A_369, %get3A_23 : vector<16xf32>
        %jit3A_443 = arith.constant 1 : i32
        %jit3A_444 = arith.constant 0 : i32
        %broadcast_in_dim3A_445 = vector.broadcast %jit3A_443 : i32 to vector<16xi32>
        %broadcast_in_dim3A_446 = vector.broadcast %jit3A_444 : i32 to vector<16xi32>
        %select_n3A_447 = arith.select %gt3A_442, %broadcast_in_dim3A_445, %broadcast_in_dim3A_446 : vector<16xi1>, vector<16xi32>
        %add3A_448 = arith.addi %add3A_441, %select_n3A_447 : vector<16xi32>
        %swap3A_449 = arith.index_cast %mul3A_367 : i32 to index
        %swap3A_450 = tpu.vector_load %arg9[%swap3A_449] {strides = array<i32>} : memref<16384xi32, #tpu.memory_space<vmem>>, vector<16xi32>,
        tpu.vector_store %arg9[%swap3A_449], %add3A_448 {strides = array<i32>} : memref<16384xi32, #tpu.memory_space<vmem>>, vector<16xi32>,
      }
      %scan3A_85 = arith.constant 256 : i32
      %dma_start3A_86 = tpu.memref_slice %arg4[%add3A_73] : memref<4194304xi32, #tpu.memory_space<hbm>> -> memref<16384xi32, #tpu.memory_space<hbm>>
      %dma_start3A_87 = tpu.memref_slice %arg4[%add3A_73] : memref<4194304xi32, #tpu.memory_space<hbm>> -> memref<16384xi32, #tpu.memory_space<hbm>>
      tpu.enqueue_dma source(%arg9 : memref<16384xi32, #tpu.memory_space<vmem>>) target(%dma_start3A_87 : memref<16384xi32, #tpu.memory_space<hbm>>) target_semaphore(%arg13 : memref<!tpu.dma_semaphore, #tpu.memory_space<semaphore_mem>>)
      %add3A_88 = arith.constant 2 : i32
      %add3A_89 = arith.addi %add3A_70, %add3A_88 : i32
      %lt3A_90 = arith.constant 8 : i32
      %lt3A_91 = arith.cmpi slt, %add3A_89, %lt3A_90 : i32
      %convert_element_type3A_92 = arith.extui %lt3A_91 : i1 to i32
      %cond3A_93 = arith.constant 0 : i32
      %cond3A_94 = arith.cmpi ne, %convert_element_type3A_92, %cond3A_93 : i32
      scf.if %cond3A_94 {
        %add3A_95 = arith.constant 32768 : i32
        %add3A_96 = arith.addi %add3A_73, %add3A_95 : i32
        %dma_start3A_97 = tpu.memref_slice %arg2[%add3A_96] : memref<16777216xf32, #tpu.memory_space<hbm>> -> memref<16384xf32, #tpu.memory_space<hbm>>
        %dma_start3A_98 = tpu.memref_slice %arg2[%add3A_96] : memref<16777216xf32, #tpu.memory_space<hbm>> -> memref<16384xf32, #tpu.memory_space<hbm>>
        tpu.enqueue_dma source(%dma_start3A_98 : memref<16384xf32, #tpu.memory_space<hbm>>) target(%arg7 : memref<16384xf32, #tpu.memory_space<vmem>>) target_semaphore(%arg11 : memref<!tpu.dma_semaphore, #tpu.memory_space<semaphore_mem>>)
      } else {
      }
    }
    %scan3A_34 = arith.constant 4 : i32
    %add3A_35 = arith.constant 98304 : i32
    %add3A_36 = arith.addi %mul3A_2, %add3A_35 : i32
    %dma_wait3A = tpu.memref_slice %arg4[%add3A_36] : memref<4194304xi32, #tpu.memory_space<hbm>> -> memref<16384xi32, #tpu.memory_space<hbm>>
    %dma_wait3A_37 = tpu.memref_slice %arg4[%add3A_36] : memref<4194304xi32, #tpu.memory_space<hbm>> -> memref<16384xi32, #tpu.memory_space<hbm>>
    tpu.wait_dma2 semaphore(%arg12 : memref<!tpu.dma_semaphore, #tpu.memory_space<semaphore_mem>>) src(%arg8 : memref<16384xi32, #tpu.memory_space<vmem>>) dst(%dma_wait3A_37 : memref<16384xi32, #tpu.memory_space<hbm>>)
    %add3A_38 = arith.constant 114688 : i32
    %add3A_39 = arith.addi %mul3A_2, %add3A_38 : i32
    %dma_wait3A_40 = tpu.memref_slice %arg4[%add3A_39] : memref<4194304xi32, #tpu.memory_space<hbm>> -> memref<16384xi32, #tpu.memory_space<hbm>>
    %dma_wait3A_41 = tpu.memref_slice %arg4[%add3A_39] : memref<4194304xi32, #tpu.memory_space<hbm>> -> memref<16384xi32, #tpu.memory_space<hbm>>
    tpu.wait_dma2 semaphore(%arg13 : memref<!tpu.dma_semaphore, #tpu.memory_space<semaphore_mem>>) src(%arg9 : memref<16384xi32, #tpu.memory_space<vmem>>) dst(%dma_wait3A_41 : memref<16384xi32, #tpu.memory_space<hbm>>)
    return
  }
}

module attributes {stable_mosaic.version = 14 : i64} {
  func.func @_tc_kernel_body(%arg0: i32, %arg1: memref<11xf32, #tpu.memory_space<smem>>, %arg2: memref<2097152xf32, #tpu.memory_space<vmem>>, %arg3: memref<2097152xi32, #tpu.memory_space<vmem>>) attributes {dimension_semantics = [#tpu.dimension_semantics<arbitrary>], iteration_bounds = array<i64: 6>, scalar_prefetch = 0 : i64, scratch_operands = 0 : i64, tpu.core_type = #tpu.core_type<tc>, window_params = [{transform_indices = @transform_0, window_bounds = array<i64: 11>}, {transform_indices = @transform_1, window_bounds = array<i64: 2097152>}, {transform_indices = @transform_2, window_bounds = array<i64: 2097152>}]} {
    %get3A = arith.constant 0 : index
    %get3A_0 = vector.load %arg2[%get3A] : memref<2097152xf32, #tpu.memory_space<vmem>>, vector<2097152xf32>
    %broadcast_in_dim3A = arith.constant 0 : i32
    %broadcast_in_dim3A_1 = vector.broadcast %broadcast_in_dim3A : i32 to vector<2097152xi32>
    %get3A_2 = arith.constant 0 : index
    %get3A_3 = memref.load %arg1[%get3A_2] : memref<11xf32, #tpu.memory_space<smem>>
    %gt3A = vector.broadcast %get3A_3 : f32 to vector<2097152xf32>
    %gt3A_4 = arith.cmpf ogt, %get3A_0, %gt3A : vector<2097152xf32>
    %convert_element_type3A = arith.extui %gt3A_4 : vector<2097152xi1> to vector<2097152xi32>
    %add3A = arith.addi %broadcast_in_dim3A_1, %convert_element_type3A : vector<2097152xi32>
    %get3A_5 = arith.constant 1 : index
    %get3A_6 = memref.load %arg1[%get3A_5] : memref<11xf32, #tpu.memory_space<smem>>
    %gt3A_7 = vector.broadcast %get3A_6 : f32 to vector<2097152xf32>
    %gt3A_8 = arith.cmpf ogt, %get3A_0, %gt3A_7 : vector<2097152xf32>
    %convert_element_type3A_9 = arith.extui %gt3A_8 : vector<2097152xi1> to vector<2097152xi32>
    %add3A_10 = arith.addi %add3A, %convert_element_type3A_9 : vector<2097152xi32>
    %get3A_11 = arith.constant 2 : index
    %get3A_12 = memref.load %arg1[%get3A_11] : memref<11xf32, #tpu.memory_space<smem>>
    %gt3A_13 = vector.broadcast %get3A_12 : f32 to vector<2097152xf32>
    %gt3A_14 = arith.cmpf ogt, %get3A_0, %gt3A_13 : vector<2097152xf32>
    %convert_element_type3A_15 = arith.extui %gt3A_14 : vector<2097152xi1> to vector<2097152xi32>
    %add3A_16 = arith.addi %add3A_10, %convert_element_type3A_15 : vector<2097152xi32>
    %get3A_17 = arith.constant 3 : index
    %get3A_18 = memref.load %arg1[%get3A_17] : memref<11xf32, #tpu.memory_space<smem>>
    %gt3A_19 = vector.broadcast %get3A_18 : f32 to vector<2097152xf32>
    %gt3A_20 = arith.cmpf ogt, %get3A_0, %gt3A_19 : vector<2097152xf32>
    %convert_element_type3A_21 = arith.extui %gt3A_20 : vector<2097152xi1> to vector<2097152xi32>
    %add3A_22 = arith.addi %add3A_16, %convert_element_type3A_21 : vector<2097152xi32>
    %get3A_23 = arith.constant 4 : index
    %get3A_24 = memref.load %arg1[%get3A_23] : memref<11xf32, #tpu.memory_space<smem>>
    %gt3A_25 = vector.broadcast %get3A_24 : f32 to vector<2097152xf32>
    %gt3A_26 = arith.cmpf ogt, %get3A_0, %gt3A_25 : vector<2097152xf32>
    %convert_element_type3A_27 = arith.extui %gt3A_26 : vector<2097152xi1> to vector<2097152xi32>
    %add3A_28 = arith.addi %add3A_22, %convert_element_type3A_27 : vector<2097152xi32>
    %get3A_29 = arith.constant 5 : index
    %get3A_30 = memref.load %arg1[%get3A_29] : memref<11xf32, #tpu.memory_space<smem>>
    %gt3A_31 = vector.broadcast %get3A_30 : f32 to vector<2097152xf32>
    %gt3A_32 = arith.cmpf ogt, %get3A_0, %gt3A_31 : vector<2097152xf32>
    %convert_element_type3A_33 = arith.extui %gt3A_32 : vector<2097152xi1> to vector<2097152xi32>
    %add3A_34 = arith.addi %add3A_28, %convert_element_type3A_33 : vector<2097152xi32>
    %get3A_35 = arith.constant 6 : index
    %get3A_36 = memref.load %arg1[%get3A_35] : memref<11xf32, #tpu.memory_space<smem>>
    %gt3A_37 = vector.broadcast %get3A_36 : f32 to vector<2097152xf32>
    %gt3A_38 = arith.cmpf ogt, %get3A_0, %gt3A_37 : vector<2097152xf32>
    %convert_element_type3A_39 = arith.extui %gt3A_38 : vector<2097152xi1> to vector<2097152xi32>
    %add3A_40 = arith.addi %add3A_34, %convert_element_type3A_39 : vector<2097152xi32>
    %get3A_41 = arith.constant 7 : index
    %get3A_42 = memref.load %arg1[%get3A_41] : memref<11xf32, #tpu.memory_space<smem>>
    %gt3A_43 = vector.broadcast %get3A_42 : f32 to vector<2097152xf32>
    %gt3A_44 = arith.cmpf ogt, %get3A_0, %gt3A_43 : vector<2097152xf32>
    %convert_element_type3A_45 = arith.extui %gt3A_44 : vector<2097152xi1> to vector<2097152xi32>
    %add3A_46 = arith.addi %add3A_40, %convert_element_type3A_45 : vector<2097152xi32>
    %get3A_47 = arith.constant 8 : index
    %get3A_48 = memref.load %arg1[%get3A_47] : memref<11xf32, #tpu.memory_space<smem>>
    %gt3A_49 = vector.broadcast %get3A_48 : f32 to vector<2097152xf32>
    %gt3A_50 = arith.cmpf ogt, %get3A_0, %gt3A_49 : vector<2097152xf32>
    %convert_element_type3A_51 = arith.extui %gt3A_50 : vector<2097152xi1> to vector<2097152xi32>
    %add3A_52 = arith.addi %add3A_46, %convert_element_type3A_51 : vector<2097152xi32>
    %get3A_53 = arith.constant 9 : index
    %get3A_54 = memref.load %arg1[%get3A_53] : memref<11xf32, #tpu.memory_space<smem>>
    %gt3A_55 = vector.broadcast %get3A_54 : f32 to vector<2097152xf32>
    %gt3A_56 = arith.cmpf ogt, %get3A_0, %gt3A_55 : vector<2097152xf32>
    %convert_element_type3A_57 = arith.extui %gt3A_56 : vector<2097152xi1> to vector<2097152xi32>
    %add3A_58 = arith.addi %add3A_52, %convert_element_type3A_57 : vector<2097152xi32>
    %get3A_59 = arith.constant 10 : index
    %get3A_60 = memref.load %arg1[%get3A_59] : memref<11xf32, #tpu.memory_space<smem>>
    %gt3A_61 = vector.broadcast %get3A_60 : f32 to vector<2097152xf32>
    %gt3A_62 = arith.cmpf ogt, %get3A_0, %gt3A_61 : vector<2097152xf32>
    %convert_element_type3A_63 = arith.extui %gt3A_62 : vector<2097152xi1> to vector<2097152xi32>
    %add3A_64 = arith.addi %add3A_58, %convert_element_type3A_63 : vector<2097152xi32>
    %swap3A = arith.constant 0 : index
    %swap3A_65 = vector.load %arg3[%swap3A] : memref<2097152xi32, #tpu.memory_space<vmem>>, vector<2097152xi32>
    tpu.vector_store %arg3[%swap3A], %add3A_64 {strides = array<i32>} : memref<2097152xi32, #tpu.memory_space<vmem>>, vector<2097152xi32>,
    return
  }
  func.func @transform_0(%arg0: i32) -> i32 {
    %c0_i32 = arith.constant 0 : i32
    %c0_i32_0 = arith.constant 0 : i32
    return %c0_i32 : i32
  }
  func.func @transform_1(%arg0: i32) -> i32 {
    %add3A = arith.constant 2 : i32
    %add3A_0 = arith.addi %add3A, %arg0 : i32
    %c0_i32 = arith.constant 0 : i32
    return %add3A_0 : i32
  }
  func.func @transform_2(%arg0: i32) -> i32 {
    %add3A = arith.constant 2 : i32
    %add3A_0 = arith.addi %add3A, %arg0 : i32
    %c0_i32 = arith.constant 0 : i32
    return %add3A_0 : i32
  }
}

module attributes {stable_mosaic.version = 14 : i64} {
  func.func @_merge_body(%arg0: i32, %arg1: memref<16777216xi32, #tpu.memory_space<any>>, %arg2: memref<2097152xi32, #tpu.memory_space<vmem>>, %arg3: memref<2097152xi32, #tpu.memory_space<vmem>>) attributes {dimension_semantics = [#tpu.dimension_semantics<arbitrary>], iteration_bounds = array<i64: 2>, scalar_prefetch = 0 : i64, scratch_operands = 0 : i64, tpu.core_type = #tpu.core_type<tc>, window_params = [{}, {transform_indices = @transform_1, window_bounds = array<i64: 2097152>}, {transform_indices = @transform_2, window_bounds = array<i64: 2097152>}]} {
    %get3A = arith.constant 0 : index
    %get3A_0 = vector.load %arg2[%get3A] : memref<2097152xi32, #tpu.memory_space<vmem>>, vector<2097152xi32>
    %swap3A = arith.constant 0 : index
    %swap3A_1 = vector.load %arg3[%swap3A] : memref<2097152xi32, #tpu.memory_space<vmem>>, vector<2097152xi32>
    tpu.vector_store %arg3[%swap3A], %get3A_0 {strides = array<i32>} : memref<2097152xi32, #tpu.memory_space<vmem>>, vector<2097152xi32>,
    return
  }
  func.func @transform_1(%arg0: i32) -> i32 {
    %c0_i32 = arith.constant 0 : i32
    return %arg0 : i32
  }
  func.func @transform_2(%arg0: i32) -> i32 {
    %c0_i32 = arith.constant 0 : i32
    return %arg0 : i32
  }
}

</mosaic_0001>

<sc_bundles>
// kernel: kernel.5.cloned.1.call-start
scs
__scs_entry_jumppad:
0x0: {  	(pc) =	sbr.rel $0x88, $3  }
0x1: {  	(tag) =	ssettag $0x0;
	lr =	simm.s32 $0x1  }
0x2: {  	[smem:$0x3F9F] =	sst lr;
	_ =	strace $0xD0000000  }
0x3: {  	_ = 	snop  }
0x4: {  	_ = 	snop  }
0x5: {  	_ = 	snop  }
0x6: {  	_ = 	snop  }
0x7: {  	_ = 	snop  }
__scs_overlays_trampoline_lowered:
0x8: {  	[smem:$0x3FAE] =	sst s0  }
0x9: {  	[smem:$0x3FAF] =	sst s1  }
0xa: {  	[smem:$0x3FB0] =	sst s2  }
0xb: {  	[smem:$0x3FB1] =	sst s3  }
0xc: {  	[smem:$0x3FB2] =	sst s4  }
0xd: {  	[smem:$0x3FB3] =	sst s5  }
0xe: {  	[smem:$0x3FB4] =	sst s6  }
0xf: {  	[smem:$0x3FB5] =	sst s7  }
0x10: {  	[smem:$0x3FB6] =	sst s8  }
0x11: {  	[smem:$0x3FB7] =	sst s9;
	s0 =	simm.s32 @!p0 $0x0  }
0x12: {  	s1 =	sld [smem:$0x3F9D];
	s0 =	simm.s32 @p0 $0x1  }
0x13: {  	[smem:$0x3FB8] =	sst s0;
	s0 =	simm.s32 @!p1 $0x0  }
0x14: {  	s2 =	sld [smem:$0x3F9C];
	s0 =	simm.s32 @p1 $0x1  }
0x15: {  	[smem:$0x3FB9] =	sst s0;
	s0 =	simm.s32 @!p2 $0x0  }
0x16: {  	s3 =	sld [smem:$0x3FDB];
	s0 =	simm.s32 @p2 $0x1  }
0x17: {  	s4 =	simm.s32 $0x1BF5;
	[smem:$0x3FBB] =	sst s0  }
0x18: {  	s0 =	sld [smem:$0x3F9E];
	_ =	swait.ge [sflag:s4], $0x0  }
0x19: {  	s7 =	sld [smem:$0x3F9F]  }
0x1a: {  	s8 =	sadd.s32 $0xFFFFE003, lr  }
0x1b: {  	s9 =	sadd.s32 $0xFFFFFEF7, lr;
	s5 =	simm.s32 $0xFFFFFFFF;
	p2 =	slt.u32 s8, $0xFFFFF086  }
0x1c: {  	p1 =	slt.u32 s9, $0xF7A;
	s5 =	simm.s32 @!p2 $0x0  }
0x1d: {  	s5 =	simm.s32 @p1 $0x1;
	p0 =	seq.s32 s7, s2  }
0x1e: {  	s7 =	smul.u32 @!p0 $0xF7A, s2;
	p2 =	seq.s32 @!p0 s5, $0x0  }
0x1f: {  	s9 =	smul.u32 $0xF7A, s1;
	s8 =	simm.s32 @!p0 $0x1BF5;
	p2 =	por !p2, p0  }
0x20: {  	[sflag:s8] =	ssyncset.s32 @!p0 $0xFFFFF086;
	s6 =	sadd.s32 @!p0 s3, s7;
	s7 =	simm.s32 @!p0 $0x108  }
0x21: {  	s3 =	sadd.s32 s3, s9;
	s6 =	sadd.s32 @!p0 $0x88, s6;
	s7 =	simm.s32 @p2 $0x1082  }
0x22: {  	[simem:s7], [sflag:s8] =	dma.local @!p0 [hbm:s6], $0xF7A  }
0x23: {  	s9 =	sor.u32 $0xD0000000, s2;
	s6 =	simm.s32 $0x108;
	_ =	swait.ge @!p0 [sflag:s8], $0x0  }
0x24: {  	s3 =	sadd.s32 $0x88, s3;
	s6 =	simm.s32 @!p1 $0x1082;
	[sflag:s4] =	ssyncset.s32 $0xFFFFF086  }
0x25: {  	[simem:s6], [sflag:s4] =	dma.local [hbm:s3], $0xF7A  }
0x26: {  	[smem:$0x3F9F] =	sst s1;
	(tag) =	ssettag s2;
	_ =	strace s9  }
0x27: {  	s1 =	sld [smem:$0x3FAF]  }
0x28: {  	s2 =	sld [smem:$0x3FB0]  }
0x29: {  	s4 =	sld [smem:$0x3FB2]  }
0x2a: {  	p0 =	seq.s32 s5, $0x0;
	s5 =	sld [smem:$0x3FB3]  }
0x2b: {  	s6 =	sld [smem:$0x3FB4]  }
0x2c: {  	s7 =	sld [smem:$0x3FB5]  }
0x2d: {  	s3 =	simm.s32 $0x108;
	s8 =	sld [smem:$0x3FB6]  }
0x2e: {  	s3 =	simm.s32 @!p0 $0x1082;
	s9 =	sld [smem:$0x3FB7]  }
0x2f: {  	lr =	sadd.s32 s0, s3;
	s0 =	sld [smem:$0x3FAE]  }
0x30: {  	s3 =	sld [smem:$0x3FB1]  }
0x31: {  	[smem:$0x3FBA] =	sst s10  }
0x32: {  	s10 =	sld [smem:$0x3FB8];
	_ =	sdelay $0x3  }
0x33: {  	p0 =	seq.s32 s10, $0x1;
	s10 =	sld [smem:$0x3FBA];
	_ =	sdelay $0x3  }
0x34: {  	[smem:$0x3FBA] =	sst s10  }
0x35: {  	s10 =	sld [smem:$0x3FB9];
	_ =	sdelay $0x3  }
0x36: {  	p1 =	seq.s32 s10, $0x1;
	s10 =	sld [smem:$0x3FBA];
	_ =	sdelay $0x3  }
0x37: {  	[smem:$0x3FBA] =	sst s10  }
0x38: {  	s10 =	sld [smem:$0x3FBB]  }
0x39: {  	_ = 	snop;
	(pc) =	sbr.ind lr, $3  }
0x3a: {  	_ = 	snop  }
0x3b: {  	_ = 	snop  }
0x3c: {  	p2 =	seq.s32 s10, $0x1;
	s10 =	sld [smem:$0x3FBA]  }
0x3d: {  	_ =	shalt  }
0x3e: {  	_ =	shalt  }
0x3f: {  	_ =	shalt  }
0x40: {  	_ =	shalt  }
0x41: {  	_ =	shalt  }
0x42: {  	_ =	shalt  }
0x43: {  	_ =	shalt  }
0x44: {  	_ =	shalt  }
0x45: {  	_ =	shalt  }
0x46: {  	_ =	shalt  }
0x47: {  	_ =	shalt  }
0x48: {  	_ =	shalt  }
0x49: {  	_ =	shalt  }
0x4a: {  	_ =	shalt  }
0x4b: {  	_ =	shalt  }
0x4c: {  	_ =	shalt  }
0x4d: {  	_ =	shalt  }
0x4e: {  	_ =	shalt  }
0x4f: {  	_ =	shalt  }
0x50: {  	_ =	shalt  }
0x51: {  	_ =	shalt  }
0x52: {  	_ =	shalt  }
0x53: {  	_ =	shalt  }
0x54: {  	_ =	shalt  }
0x55: {  	_ =	shalt  }
0x56: {  	_ =	shalt  }
0x57: {  	_ =	shalt  }
0x58: {  	_ =	shalt  }
0x59: {  	_ =	shalt  }
0x5a: {  	_ =	shalt  }
0x5b: {  	_ =	shalt  }
0x5c: {  	_ =	shalt  }
0x5d: {  	_ =	shalt  }
0x5e: {  	_ =	shalt  }
0x5f: {  	_ =	shalt  }
0x60: {  	_ =	shalt  }
0x61: {  	_ =	shalt  }
0x62: {  	_ =	shalt  }
0x63: {  	_ =	shalt  }
0x64: {  	_ =	shalt  }
0x65: {  	_ =	shalt  }
0x66: {  	_ =	shalt  }
0x67: {  	_ =	shalt  }
0x68: {  	_ =	shalt  }
0x69: {  	_ =	shalt  }
0x6a: {  	_ =	shalt  }
0x6b: {  	_ =	shalt  }
0x6c: {  	_ =	shalt  }
0x6d: {  	_ =	shalt  }
0x6e: {  	_ =	shalt  }
0x6f: {  	_ =	shalt  }
0x70: {  	_ =	shalt  }
0x71: {  	_ =	shalt  }
0x72: {  	_ =	shalt  }
0x73: {  	_ =	shalt  }
0x74: {  	_ =	shalt  }
0x75: {  	_ =	shalt  }
0x76: {  	_ =	shalt  }
0x77: {  	_ =	shalt  }
0x78: {  	_ =	shalt  }
0x79: {  	_ =	shalt  }
0x7a: {  	_ =	shalt  }
0x7b: {  	_ =	shalt  }
0x7c: {  	_ =	shalt  }
0x7d: {  	_ =	shalt  }
0x7e: {  	_ =	shalt  }
0x7f: {  	_ =	shalt  }
0x80: {  	_ =	shalt  }
0x81: {  	_ =	shalt  }
0x82: {  	_ =	shalt  }
0x83: {  	_ =	shalt  }
0x84: {  	_ =	shalt  }
0x85: {  	_ =	shalt  }
0x86: {  	_ =	shalt  }
0x87: {  	_ =	shalt  }
.Lfunc_end0:
.L_simem_size_0:
called_computation_lowered:
.L_overlay_start_0:
0x88: {  	s2 =	sld [smem:$0x3FD9]  }
0x89: {  	s3 =	sld [smem:$0x3FFE];
	_ =	sdelay $0x1  }
0x8a: {  	s1 =	srdreg.scid  }
0x8b: {  	s0 =	sand.u32 $0x1, s1  }
0x8c: {  	s17 =	sshll.u32 s0, $0xA;
	s2 =	sadd.s32 s3, s2  }
0x8d: {  	s2 =	sadd.s32 s2, s17  }
0x8e: {  	[smem:$0x3FC6] =	sst s2  }
0x8f: {  	_ = 	snop  }
0x90: {  	s2 =	sld [smem:$0x3FC9];
	(tm) =	ssettm $0x1  }
0x91: {  	s18 =	sld [smem:$0x3FFB];
	_ =	sdelay $0x3  }
0x92: {  	_ =	strace s18  }
0x93: {  	s3 =	sld [smem:$0x3FFC];
	_ =	sdelay $0x3  }
0x94: {  	_ =	strace s3  }
0x95: {  	s3 =	sld [smem:$0x3FFD];
	_ =	sdelay $0x3  }
0x96: {  	_ =	strace s3  }
0x97: {  	_ =	strace $0x8FFFFFFF  }
0x98: {  	s19 =	sld [smem:$0x3FDB];
	_ =	sdelay $0x1  }
0x99: {  	s4 =	simm.s32 $_scs_section_size  }
0x9a: {  	s5 =	simm.s32 $_size__tile_overlayer_lowered;
	s6 =	simm.s32 $_tile_overlayer_lowered  }
0x9b: {  	s22 =	simm.s32 $0x1BFF;
	s21 =	sshll.u32 s6, $0x1;
	s3 =	sadd.s32 s4, s19  }
0x9c: {  	s7 =	simm.s32 $0x0;
	s20 =	sshll.u32 s5, $0x1;
	s5 =	sadd.s32 s21, s3  }
0x9d: {  	[timem:s7], [sflag:s22] =	dma.local [hbm:s5], s20  }
0x9e: {  	_ =	swait.ge [sflag:s22], s20  }
0x9f: {  	s4 =	ssub.s32 $0x0, s20;
	[sflag:s22] =	ssyncset.done $0x0  }
0xa0: {  	[sflag:s22] =	ssyncadd.s32 s4;
	_ =	sdelay $0x1  }
0xa1: {  	s23 =	simm.s32 $0x1B8B  }
0xa2: {  	_ =	swait.ge [sflag:s23], $0x1  }
0xa3: {  	[sflag:s23] =	ssyncset.done $0x0  }
0xa4: {  	s25 =	simm.s32 $0x1B8E;
	s24 =	sld [smem:$0x3FFE];
	[sflag:s23] =	ssyncadd.s32 $0xFFFFFFFF  }
0xa5: {  	s26 =	simm.s32 $execute0_lowered;
	[smem:$0x3FD2] =	sst s25  }
0xa6: {  	s5 =	sshll.u32 s26, $0x1;
	_ =	strace $0x80000046;
	[dreg:$0x1] =	wrdreg $0xFFFFFFFF  }
0xa7: {  	s28 =	simm.s32 $_size_execute0_lowered;
	s3 =	sadd.s32 s3, s5;
	[dreg:$0x0] =	wrdreg $0x0  }
0xa8: {  	s5 =	sshll.u32 s28, $0x1;
	[dreg:$0x2] =	wrdreg s3  }
0xa9: {  	[dreg:$0x3] =	wrdreg s5  }
0xaa: {  	[dreg:$0x4] =	wrdreg $0xC0  }
0xab: {  	_ =	task [dreg:s7], $0x5FFFF  }
0xac: {  	[dreg:$0x1] =	wrdreg $0xFFFFFFFF  }
0xad: {  	[dreg:$0x0] =	wrdreg $0x60  }
0xae: {  	[dreg:$0x2] =	wrdreg s2  }
0xaf: {  	[dreg:$0x3] =	wrdreg s24  }
0xb0: {  	[dreg:$0x4] =	wrdreg $0x9  }
0xb1: {  	_ =	task.clear_ibuf [dreg:s7], $0x5FFFF;
	_ =	strace $0x90000046  }
0xb2: {  	s29 =	simm.s32 $0x9;
	_ =	strace $0x80000048  }
0xb3: {  	_ =	swait.ge [sflag:s29], $0x1  }
0xb4: {  	[sflag:s29] =	ssyncadd.s32 $0xFFFFFFFF  }
0xb5: {  	_ =	strace $0x90000048  }
0xb6: {  	_ =	sfence  }
0xb7: {  	s30 =	sld [smem:$0x0];
	_ =	sdelay $0x2  }
0xb8: {  	s31 =	sshll.u32 s1, $0xD;
	s1 =	sshrl.u32 s1, $0x2  }
0xb9: {  	s3 =	sand.u32 $0x4000, s31;
	s1 =	sadd.s32 s1, s30  }
0xba: {  	s0 =	sor.u32 s3, s0;
	s1 =	sshll.u32 s1, $0x11  }
0xbb: {  	s0 =	sor.u32 s1, s0  }
0xbc: {  	s0 =	sadd.s32 $0x8F2B, s0  }
0xbd: {  	[sflag:s0] =	ssyncadd.remote.s32 $0x1  }
0xbe: {  	_ =	sfence.sel $0xFFFF  }
0xbf: {  	[dreg:$0x0] =	wrdreg $0xFFFFFFFF;
	(pc) =	sbr.abs _section_cstart, $3  }
0xc0: {  	[dreg:$0x1] =	wrdreg $0xFFFFFFFF  }
0xc1: {  	_ =	task.clear_ibuf [dreg:s7], $0x2FFFF;
	_ =	strace $0x9FFFFFFF  }
0xc2: {  	(tm) =	ssettm $0x7FFFFFFF  }
0xc3: {  	_ =	shalt  }
tec
execute0_lowered:
.L_overlay_start_1:
0x0: {  	(tag) =	ssettag $0x1  }
0x1: {  	s1 =	rddreg [dreg:$0x0]  }
0x2: {  	s6 =	rddreg [dreg:$0x1]  }
0x3: {  	s0 =	rddreg [dreg:$0x2];
	s4 =	srdreg.scid;
	s3 =	simm.s32 $0x0  }
0x4: {  	s2 =	stileid.u32;
	s11 =	simm.s32 $0x100;
	s12 =	simm.s32 $0x4100  }
0x5: {  	s13 =	simm.s32 $0x1;
	s14 =	simm.s32 $0x8100;
	s15 =	simm.s32 $0x2  }
0x6: {  	s16 =	simm.s32 $0x4;
	s17 =	simm.s32 $0xC100;
	s18 =	simm.s32 $0x3  }
0x7: {  	s19 =	simm.s32 $0x0;
	s4 =	sand.u32 $0x1, s4;
	[smem:$0x7FF] =	sst s3  }
.Ltmp0:
0x8: {  	s5 =	sshll.u32 s2, $0x12;
	s7 =	sshll.u32 s4, $0x11;
	(pc) =	sbr.rel .LBB2_1-.Ltmp0, $4  }
0x9: {  	_ =	strace $0x80000047;
	s8 =	ssub.s32 $0x2, s4;
	s4 =	sor.u32 s7, s5  }
0xa: {  	s5 =	sadd.s32 $0x800, s6;
	s31 =	sshrl.u32 s8, $0x1;
	s9 =	sshrl.u32 s4, $0x3  }
0xb: {  	s6 =	sadd.s32 $0xA00, s6;
	s10 =	ssub.s32 s8, s31;
	s7 =	sadd.s32 s1, s9  }
0xc: {  	v0 =	vimm.s32 $0x0;
	s9 =	smax.u32 s10, $0x1;
	s10 =	simm.s32 $0x5;
	s8 =	sadd.s32 $0x800, s7  }
.LBB2_12:
0xd: {  	s19 =	sadd.s32 $0x1, s19  }
0xe: {  	_ =	swait.ge [sflag:s18], $0x4000;
	p0 =	sne.s32 s19, s9  }
.Ltmp1:
0xf: {  	[sflag:s18] =	ssyncset.done $0x0;
	(pc) =	sbr.rel @!p0 .LBB2_13-.Ltmp1, $4  }
0x10: {  	[sflag:s18] =	ssyncadd.s32 $0xFFFFC000  }
0x11: {  	_ =	swait.ge [sflag:s16], $0x4000  }
0x12: {  	[sflag:s16] =	ssyncset.done $0x0  }
0x13: {  	[sflag:s16] =	ssyncadd.s32 $0xFFFFC000  }
.LBB2_1:
0x14: {  	[tilespmem:s3], [sflag:$0x5] =	stream.linear.gather [hbm4b:s5+s3], $0x100, $0x38;
	[tilespmem:$0x10100] =	vst v63  }
0x15: {  	_ =	swait.ge [sflag:s10], $0x100  }
0x16: {  	[sflag:s10] =	ssyncset.done $0x0  }
0x17: {  	[sflag:s10] =	ssyncadd.s32 $0xFFFFFF00  }
0x18: {  	v1 =	vld [tilespmem:$0x0]  }
0x19: {  	v2 =	vld [tilespmem:$0x10]  }
0x1a: {  	v3 =	vld [tilespmem:$0x20]  }
0x1b: {  	v4 =	vld [tilespmem:$0x30]  }
0x1c: {  	v5 =	vld [tilespmem:$0x40]  }
0x1d: {  	v6 =	vld [tilespmem:$0x50]  }
0x1e: {  	v7 =	vld [tilespmem:$0x60]  }
0x1f: {  	v8 =	vld [tilespmem:$0x70]  }
0x20: {  	v9 =	vld [tilespmem:$0x80]  }
0x21: {  	v11 =	vld [tilespmem:$0xA0]  }
0x22: {  	v10 =	vld [tilespmem:$0x90];
	[tilespmem:s11], [sflag:$0x1] =	stream.linear.gather [hbm4b:s7+s3], $0x4000, $0x38  }
0x23: {  	s20 =	simm.s32 $0x0  }
0x24: {  	[tilespmem:s12], [sflag:$0x2] =	stream.linear.gather [hbm4b:s8+s3], $0x4000, $0x38;
	[tilespmem:$0x10100] =	vst v63  }
.LBB2_2:
0x25: {  	_ =	swait.ge [sflag:s13], $0x4000  }
0x26: {  	p0 =	seq.s32 s20, $0x0;
	[sflag:s13] =	ssyncset.done $0x0  }
0x27: {  	s21 =	simm.s32 @!p0 $0x3;
	[sflag:s13] =	ssyncadd.s32 $0xFFFFC000  }
0x28: {  	_ =	swait.ge @!p0 [sflag:s21], $0x4000  }
0x29: {  	[sflag:s21] =	ssyncset.done @!p0 $0x0  }
0x2a: {  	[sflag:s21] =	ssyncadd.s32 @!p0 $0xFFFFC000;
	s21 =	simm.s32 $0x0  }
0x2b: {  	v15 =	vld [tilespmem:s21+$0x130];
	_ =	sdelay $0x4  }
0x2c: {  	vm0 =	vgt.f32 v15, v1;
	vm1 =	vgt.f32 v15, v2  }
0x2d: {  	v12 =	vsel vm0, $0x1, v0;
	v13 =	vsel vm1, $0x1, v0;
	vm0 =	vgt.f32 v15, v3  }
0x2e: {  	v12 =	vadd.s32 v13, v12;
	v13 =	vsel vm0, $0x1, v0;
	vm0 =	vgt.f32 v15, v4  }
0x2f: {  	v12 =	vadd.s32 v13, v12;
	v13 =	vsel vm0, $0x1, v0;
	vm0 =	vgt.f32 v15, v5  }
0x30: {  	v13 =	vadd.s32 v13, v12;
	v14 =	vsel vm0, $0x1, v0;
	vm0 =	vgt.f32 v15, v6  }
0x31: {  	v12 =	vld [tilespmem:s21+$0x100];
	v14 =	vadd.s32 v14, v13;
	v16 =	vsel vm0, $0x1, v0;
	vm0 =	vgt.f32 v15, v7  }
0x32: {  	v13 =	vld [tilespmem:s21+$0x110];
	v16 =	vadd.s32 v16, v14;
	v17 =	vsel vm0, $0x1, v0;
	vm0 =	vgt.f32 v15, v8  }
0x33: {  	v14 =	vld [tilespmem:s21+$0x120];
	v16 =	vadd.s32 v17, v16;
	v17 =	vsel vm0, $0x1, v0;
	vm0 =	vgt.f32 v15, v9  }
0x34: {  	v16 =	vadd.s32 v17, v16;
	v17 =	vsel vm0, $0x1, v0;
	vm0 =	vgt.f32 v15, v10  }
0x35: {  	v16 =	vadd.s32 v17, v16;
	v17 =	vsel vm0, $0x1, v0;
	vm0 =	vgt.f32 v15, v11  }
0x36: {  	vm1 =	vgt.f32 v12, v1;
	v15 =	vadd.s32 v17, v16;
	v16 =	vsel vm0, $0x1, v0  }
0x37: {  	vm0 =	vgt.f32 v12, v2;
	vm2 =	vgt.f32 v13, v1;
	vm3 =	vgt.f32 v13, v2  }
0x38: {  	v15 =	vadd.s32 v16, v15;
	vm4 =	vgt.f32 v14, v1;
	vm5 =	vgt.f32 v14, v2  }
0x39: {  	v16 =	vsel vm1, $0x1, v0;
	v17 =	vsel vm0, $0x1, v0;
	v18 =	vsel vm2, $0x1, v0  }
0x3a: {  	v19 =	vsel vm3, $0x1, v0;
	vm0 =	vgt.f32 v12, v3;
	vm1 =	vgt.f32 v13, v3  }
0x3b: {  	vm2 =	vgt.f32 v14, v3;
	v20 =	vsel vm4, $0x1, v0;
	v21 =	vsel vm5, $0x1, v0  }
0x3c: {  	v16 =	vadd.s32 v17, v16;
	v17 =	vadd.s32 v19, v18;
	v19 =	vsel vm0, $0x1, v0  }
0x3d: {  	v50 =	vsel vm1, $0x1, v0;
	v51 =	vsel vm2, $0x1, v0;
	vm0 =	vgt.f32 v12, v4  }
0x3e: {  	vm1 =	vgt.f32 v13, v4;
	vm2 =	vgt.f32 v14, v4;
	v18 =	vadd.s32 v21, v20  }
0x3f: {  	v16 =	vadd.s32 v19, v16;
	v17 =	vadd.s32 v50, v17;
	v19 =	vsel vm0, $0x1, v0  }
0x40: {  	v52 =	vsel vm1, $0x1, v0;
	v53 =	vsel vm2, $0x1, v0;
	vm0 =	vgt.f32 v12, v5  }
0x41: {  	vm1 =	vgt.f32 v13, v5;
	vm2 =	vgt.f32 v14, v5;
	v18 =	vadd.s32 v51, v18  }
0x42: {  	v16 =	vadd.s32 v19, v16;
	v17 =	vadd.s32 v52, v17;
	v19 =	vsel vm0, $0x1, v0  }
0x43: {  	v54 =	vsel vm1, $0x1, v0;
	v55 =	vsel vm2, $0x1, v0;
	vm0 =	vgt.f32 v12, v6  }
0x44: {  	vm1 =	vgt.f32 v13, v6;
	vm2 =	vgt.f32 v14, v6;
	v18 =	vadd.s32 v53, v18  }
0x45: {  	v16 =	vadd.s32 v19, v16;
	v17 =	vadd.s32 v54, v17;
	v19 =	vsel vm0, $0x1, v0  }
0x46: {  	v56 =	vsel vm1, $0x1, v0;
	v57 =	vsel vm2, $0x1, v0;
	vm0 =	vgt.f32 v12, v7  }
0x47: {  	vm1 =	vgt.f32 v13, v7;
	vm2 =	vgt.f32 v14, v7;
	v18 =	vadd.s32 v55, v18  }
0x48: {  	v16 =	vadd.s32 v19, v16;
	v17 =	vadd.s32 v56, v17;
	v19 =	vsel vm0, $0x1, v0  }
0x49: {  	v58 =	vsel vm1, $0x1, v0;
	v59 =	vsel vm2, $0x1, v0;
	vm0 =	vgt.f32 v12, v8  }
0x4a: {  	vm1 =	vgt.f32 v13, v8;
	vm2 =	vgt.f32 v14, v8;
	v18 =	vadd.s32 v57, v18  }
0x4b: {  	v16 =	vadd.s32 v19, v16;
	v17 =	vadd.s32 v58, v17;
	v19 =	vsel vm0, $0x1, v0  }
0x4c: {  	v60 =	vsel vm1, $0x1, v0;
	v61 =	vsel vm2, $0x1, v0;
	vm0 =	vgt.f32 v12, v9  }
0x4d: {  	vm1 =	vgt.f32 v13, v9;
	vm2 =	vgt.f32 v14, v9;
	v18 =	vadd.s32 v59, v18  }
0x4e: {  	v16 =	vadd.s32 v19, v16;
	v17 =	vadd.s32 v60, v17;
	v19 =	vsel vm0, $0x1, v0  }
0x4f: {  	v62 =	vsel vm1, $0x1, v0;
	v63 =	vsel vm2, $0x1, v0;
	vm0 =	vgt.f32 v12, v10  }
0x50: {  	s22 =	sshll.u32 s20, $0xF;
	vm1 =	vgt.f32 v13, v10;
	vm2 =	vgt.f32 v14, v10;
	v18 =	vadd.s32 v61, v18  }
0x51: {  	s23 =	simm.s32 $0x40;
	s24 =	simm.s32 $0x200;
	s22 =	sor.u32 s4, s22;
	[tilespmem:s21+$0x8130] =	vst v15;
	v15 =	vadd.s32 v19, v16;
	v16 =	vadd.s32 v62, v17;
	v17 =	vadd.s32 v63, v18  }
.LBB2_3:
0x52: {  	p1 =	sne.s32 s24, $0xFF00;
	v18 =	vld [tilespmem:s23+$0x130];
	v19 =	vsel vm0, $0x1, v0;
	v20 =	vsel vm1, $0x1, v0;
	v21 =	vsel vm2, $0x1, v0  }
0x53: {  	vm0 =	vgt.f32 v12, v11;
	vm1 =	vgt.f32 v13, v11;
	vm2 =	vgt.f32 v14, v11;
	v12 =	vld [tilespmem:s23+$0x100]  }
0x54: {  	v15 =	vadd.s32 v19, v15;
	v16 =	vadd.s32 v20, v16;
	v17 =	vadd.s32 v21, v17;
	v13 =	vld [tilespmem:s23+$0x110]  }
0x55: {  	v19 =	vsel vm0, $0x1, v0;
	v20 =	vsel vm1, $0x1, v0;
	v21 =	vsel vm2, $0x1, v0;
	v14 =	vld [tilespmem:s23+$0x120]  }
0x56: {  	v15 =	vadd.s32 v19, v15;
	v16 =	vadd.s32 v20, v16;
	v17 =	vadd.s32 v21, v17  }
0x57: {  	vm0 =	vgt.f32 v18, v1;
	vm1 =	vgt.f32 v18, v2;
	[tilespmem:s21+$0x8100] =	vst v15  }
0x58: {  	v15 =	vsel vm0, $0x1, v0;
	v19 =	vsel vm1, $0x1, v0;
	vm0 =	vgt.f32 v18, v3;
	[tilespmem:s21+$0x8110] =	vst v16  }
0x59: {  	v15 =	vadd.s32 v19, v15;
	v16 =	vsel vm0, $0x1, v0;
	vm0 =	vgt.f32 v18, v4;
	[tilespmem:s21+$0x8120] =	vst v17;
	s21 =	smov.u32 s23  }
0x5a: {  	v15 =	vadd.s32 v16, v15;
	v16 =	vsel vm0, $0x1, v0;
	vm0 =	vgt.f32 v18, v5  }
0x5b: {  	v15 =	vadd.s32 v16, v15;
	v16 =	vsel vm0, $0x1, v0;
	vm0 =	vgt.f32 v18, v6  }
0x5c: {  	v15 =	vadd.s32 v16, v15;
	v16 =	vsel vm0, $0x1, v0;
	vm0 =	vgt.f32 v18, v7  }
0x5d: {  	v15 =	vadd.s32 v16, v15;
	v16 =	vsel vm0, $0x1, v0;
	vm0 =	vgt.f32 v18, v8  }
0x5e: {  	v15 =	vadd.s32 v16, v15;
	v16 =	vsel vm0, $0x1, v0;
	vm0 =	vgt.f32 v18, v9  }
0x5f: {  	v15 =	vadd.s32 v16, v15;
	v16 =	vsel vm0, $0x1, v0;
	vm0 =	vgt.f32 v18, v10  }
0x60: {  	v15 =	vadd.s32 v16, v15;
	v16 =	vsel vm0, $0x1, v0;
	vm0 =	vgt.f32 v18, v11  }
0x61: {  	vm1 =	vgt.f32 v12, v1;
	v15 =	vadd.s32 v16, v15;
	v16 =	vsel vm0, $0x1, v0  }
0x62: {  	vm2 =	vgt.f32 v13, v1;
	vm0 =	vgt.f32 v12, v2;
	v15 =	vadd.s32 v16, v15  }
0x63: {  	vm3 =	vgt.f32 v13, v2;
	vm4 =	vgt.f32 v14, v1;
	vm5 =	vgt.f32 v14, v2;
	[tilespmem:s21+$0x8130] =	vst v15  }
0x64: {  	v17 =	vsel vm2, $0x1, v0;
	v16 =	vsel vm0, $0x1, v0;
	v15 =	vsel vm1, $0x1, v0  }
0x65: {  	v19 =	vsel vm4, $0x1, v0;
	v20 =	vsel vm5, $0x1, v0;
	v18 =	vsel vm3, $0x1, v0  }
0x66: {  	vm2 =	vgt.f32 v14, v3;
	vm0 =	vgt.f32 v12, v3;
	vm1 =	vgt.f32 v13, v3  }
0x67: {  	v15 =	vadd.s32 v16, v15;
	v16 =	vadd.s32 v18, v17;
	v17 =	vadd.s32 v20, v19  }
0x68: {  	v18 =	vsel vm0, $0x1, v0;
	v19 =	vsel vm1, $0x1, v0;
	v20 =	vsel vm2, $0x1, v0  }
0x69: {  	vm0 =	vgt.f32 v12, v4;
	vm1 =	vgt.f32 v13, v4;
	vm2 =	vgt.f32 v14, v4  }
0x6a: {  	v15 =	vadd.s32 v18, v15;
	v16 =	vadd.s32 v19, v16;
	v17 =	vadd.s32 v20, v17  }
0x6b: {  	v18 =	vsel vm0, $0x1, v0;
	v19 =	vsel vm1, $0x1, v0;
	v20 =	vsel vm2, $0x1, v0  }
0x6c: {  	vm0 =	vgt.f32 v12, v5;
	vm1 =	vgt.f32 v13, v5;
	vm2 =	vgt.f32 v14, v5  }
0x6d: {  	v15 =	vadd.s32 v18, v15;
	v16 =	vadd.s32 v19, v16;
	v17 =	vadd.s32 v20, v17  }
0x6e: {  	v18 =	vsel vm0, $0x1, v0;
	v19 =	vsel vm1, $0x1, v0;
	v20 =	vsel vm2, $0x1, v0  }
0x6f: {  	vm0 =	vgt.f32 v12, v6;
	vm1 =	vgt.f32 v13, v6;
	vm2 =	vgt.f32 v14, v6  }
0x70: {  	v15 =	vadd.s32 v18, v15;
	v16 =	vadd.s32 v19, v16;
	v17 =	vadd.s32 v20, v17  }
0x71: {  	v18 =	vsel vm0, $0x1, v0;
	v19 =	vsel vm1, $0x1, v0;
	v20 =	vsel vm2, $0x1, v0  }
0x72: {  	vm0 =	vgt.f32 v12, v7;
	vm1 =	vgt.f32 v13, v7;
	vm2 =	vgt.f32 v14, v7  }
0x73: {  	v15 =	vadd.s32 v18, v15;
	v16 =	vadd.s32 v19, v16;
	v17 =	vadd.s32 v20, v17  }
0x74: {  	v18 =	vsel vm0, $0x1, v0;
	v19 =	vsel vm1, $0x1, v0;
	v20 =	vsel vm2, $0x1, v0  }
0x75: {  	vm0 =	vgt.f32 v12, v8;
	vm1 =	vgt.f32 v13, v8;
	vm2 =	vgt.f32 v14, v8  }
0x76: {  	v15 =	vadd.s32 v18, v15;
	v16 =	vadd.s32 v19, v16;
	v17 =	vadd.s32 v20, v17  }
0x77: {  	v18 =	vsel vm0, $0x1, v0;
	v19 =	vsel vm1, $0x1, v0;
	v20 =	vsel vm2, $0x1, v0  }
.Ltmp2:
0x78: {  	vm0 =	vgt.f32 v12, v9;
	vm1 =	vgt.f32 v13, v9;
	vm2 =	vgt.f32 v14, v9;
	(pc) =	sbr.rel @p1 .LBB2_3-.Ltmp2, $4  }
0x79: {  	v15 =	vadd.s32 v18, v15;
	v16 =	vadd.s32 v19, v16;
	v17 =	vadd.s32 v20, v17  }
0x7a: {  	v18 =	vsel vm0, $0x1, v0;
	v19 =	vsel vm1, $0x1, v0;
	v20 =	vsel vm2, $0x1, v0  }
0x7b: {  	vm0 =	vgt.f32 v12, v10;
	vm1 =	vgt.f32 v13, v10;
	vm2 =	vgt.f32 v14, v10  }
0x7c: {  	s23 =	sshra.s32 s24, $0x2;
	s24 =	sadd.s32 $0x100, s24;
	v15 =	vadd.s32 v18, v15;
	v16 =	vadd.s32 v19, v16;
	v17 =	vadd.s32 v20, v17  }
0x7d: {  	v18 =	vld [tilespmem:s23+$0x130];
	v19 =	vsel vm0, $0x1, v0  }
0x7e: {  	v20 =	vsel vm1, $0x1, v0;
	v21 =	vsel vm2, $0x1, v0;
	vm8 =	vgt.f32 v12, v11  }
0x7f: {  	vm9 =	vgt.f32 v13, v11;
	vm10 =	vgt.f32 v14, v11;
	v51 =	vadd.s32 v19, v15  }
0x80: {  	v62 =	vld [tilespmem:s23+$0x100];
	v52 =	vadd.s32 v20, v16;
	v53 =	vadd.s32 v21, v17;
	v54 =	vsel vm8, $0x1, v0  }
0x81: {  	v24 =	vld [tilespmem:s23+$0x110];
	v55 =	vsel vm9, $0x1, v0;
	v56 =	vsel vm10, $0x1, v0;
	v12 =	vadd.s32 v54, v51  }
0x82: {  	v13 =	vadd.s32 v55, v52;
	v14 =	vadd.s32 v56, v53;
	vm11 =	vgt.f32 v18, v1  }
0x83: {  	vm12 =	vgt.f32 v18, v2;
	vm13 =	vgt.f32 v18, v3;
	vm14 =	vgt.f32 v18, v4  }
0x84: {  	vm15 =	vgt.f32 v18, v5;
	vm4 =	vgt.f32 v18, v6;
	vm5 =	vgt.f32 v18, v7  }
0x85: {  	vm6 =	vgt.f32 v18, v8;
	vm7 =	vgt.f32 v18, v9;
	vm8 =	vgt.f32 v18, v10  }
0x86: {  	v26 =	vld [tilespmem:s23+$0x120];
	vm9 =	vgt.f32 v18, v11;
	vm10 =	vgt.f32 v62, v1;
	vm3 =	vgt.f32 v24, v2  }
0x87: {  	v57 =	vsel vm11, $0x1, v0;
	v58 =	vsel vm12, $0x1, v0;
	v59 =	vsel vm13, $0x1, v0  }
0x88: {  	v60 =	vsel vm14, $0x1, v0;
	v61 =	vsel vm15, $0x1, v0;
	v63 =	vsel vm4, $0x1, v0  }
0x89: {  	v25 =	vsel vm5, $0x1, v0;
	v27 =	vsel vm6, $0x1, v0;
	v28 =	vsel vm7, $0x1, v0  }
0x8a: {  	v29 =	vsel vm8, $0x1, v0;
	v30 =	vsel vm9, $0x1, v0;
	vm11 =	vgt.f32 v62, v2  }
0x8b: {  	vm12 =	vgt.f32 v24, v1;
	vm4 =	vgt.f32 v26, v1;
	vm5 =	vgt.f32 v26, v2  }
0x8c: {  	v31 =	vsel vm10, $0x1, v0;
	v22 =	vsel vm3, $0x1, v0;
	vm13 =	vgt.f32 v62, v3  }
0x8d: {  	vm14 =	vgt.f32 v24, v3;
	vm15 =	vgt.f32 v26, v3;
	vm6 =	vgt.f32 v26, v4  }
0x8e: {  	vm7 =	vgt.f32 v62, v5;
	vm8 =	vgt.f32 v24, v5;
	vm9 =	vgt.f32 v26, v5  }
0x8f: {  	vm10 =	vgt.f32 v62, v6;
	v15 =	vadd.s32 v58, v57;
	v32 =	vsel vm11, $0x1, v0  }
0x90: {  	v33 =	vsel vm12, $0x1, v0;
	v23 =	vsel vm4, $0x1, v0;
	v34 =	vsel vm5, $0x1, v0  }
0x91: {  	v35 =	vsel vm13, $0x1, v0;
	v36 =	vsel vm14, $0x1, v0;
	v37 =	vsel vm15, $0x1, v0  }
0x92: {  	vm4 =	vgt.f32 v62, v4;
	vm5 =	vgt.f32 v24, v4;
	v40 =	vsel vm6, $0x1, v0  }
0x93: {  	v41 =	vsel vm7, $0x1, v0;
	v42 =	vsel vm8, $0x1, v0;
	v43 =	vsel vm9, $0x1, v0  }
0x94: {  	vm11 =	vgt.f32 v24, v6;
	vm12 =	vgt.f32 v26, v6;
	v44 =	vsel vm10, $0x1, v0  }
0x95: {  	vm13 =	vgt.f32 v62, v7;
	vm14 =	vgt.f32 v24, v7;
	vm15 =	vgt.f32 v26, v7  }
0x96: {  	vm6 =	vgt.f32 v26, v8;
	vm7 =	vgt.f32 v62, v9;
	vm8 =	vgt.f32 v24, v9  }
0x97: {  	vm9 =	vgt.f32 v26, v9;
	vm10 =	vgt.f32 v62, v10;
	v15 =	vadd.s32 v59, v15  }
0x98: {  	v16 =	vadd.s32 v32, v31;
	v18 =	vadd.s32 v22, v33;
	v17 =	vadd.s32 v34, v23  }
0x99: {  	v38 =	vsel vm4, $0x1, v0;
	v39 =	vsel vm5, $0x1, v0;
	v45 =	vsel vm11, $0x1, v0  }
0x9a: {  	v46 =	vsel vm12, $0x1, v0;
	v47 =	vsel vm13, $0x1, v0;
	v48 =	vsel vm14, $0x1, v0  }
0x9b: {  	v49 =	vsel vm15, $0x1, v0;
	vm4 =	vgt.f32 v62, v8;
	vm5 =	vgt.f32 v24, v8  }
0x9c: {  	v52 =	vsel vm6, $0x1, v0;
	v53 =	vsel vm7, $0x1, v0;
	v54 =	vsel vm8, $0x1, v0  }
0x9d: {  	v55 =	vsel vm9, $0x1, v0;
	vm11 =	vgt.f32 v24, v10;
	vm12 =	vgt.f32 v26, v10  }
0x9e: {  	v56 =	vsel vm10, $0x1, v0;
	vm13 =	vgt.f32 v62, v11;
	vm14 =	vgt.f32 v24, v11  }
0x9f: {  	vm15 =	vgt.f32 v26, v11;
	v15 =	vadd.s32 v60, v15;
	v16 =	vadd.s32 v35, v16  }
0xa0: {  	v18 =	vadd.s32 v36, v18;
	v17 =	vadd.s32 v37, v17;
	v50 =	vsel vm4, $0x1, v0  }
0xa1: {  	v51 =	vsel vm5, $0x1, v0;
	v57 =	vsel vm11, $0x1, v0;
	v58 =	vsel vm12, $0x1, v0  }
0xa2: {  	v59 =	vsel vm13, $0x1, v0;
	v15 =	vadd.s32 v61, v15;
	v16 =	vadd.s32 v38, v16  }
0xa3: {  	v18 =	vadd.s32 v39, v18;
	v17 =	vadd.s32 v40, v17;
	v61 =	vsel vm14, $0x1, v0  }
0xa4: {  	v15 =	vadd.s32 v63, v15;
	v16 =	vadd.s32 v41, v16;
	v18 =	vadd.s32 v42, v18  }
0xa5: {  	v17 =	vadd.s32 v43, v17;
	v15 =	vadd.s32 v25, v15;
	v16 =	vadd.s32 v44, v16  }
0xa6: {  	v18 =	vadd.s32 v45, v18;
	v17 =	vadd.s32 v46, v17;
	v15 =	vadd.s32 v27, v15  }
0xa7: {  	v16 =	vadd.s32 v47, v16;
	v18 =	vadd.s32 v48, v18;
	v17 =	vadd.s32 v49, v17  }
0xa8: {  	[tilespmem:s21+$0x8100] =	vst v12;
	v15 =	vadd.s32 v28, v15;
	v16 =	vadd.s32 v50, v16;
	v18 =	vadd.s32 v51, v18  }
0xa9: {  	[tilespmem:s21+$0x8110] =	vst v13;
	v17 =	vadd.s32 v52, v17;
	v15 =	vadd.s32 v29, v15;
	v16 =	vadd.s32 v53, v16  }
0xaa: {  	p1 =	sne.s32 s20, $0x3;
	[tilespmem:s21+$0x8120] =	vst v14;
	v18 =	vadd.s32 v54, v18;
	v15 =	vadd.s32 v30, v15;
	v12 =	vadd.s32 v56, v16  }
.Ltmp3:
0xab: {  	v17 =	vadd.s32 v55, v17;
	v60 =	vadd.s32 v57, v18;
	[tilespmem:s23+$0x8130] =	vst v15;
	v12 =	vadd.s32 v59, v12;
	(pc) =	sbr.rel @p1 .LBB2_6-.Ltmp3, $4  }
0xac: {  	v62 =	vsel vm15, $0x1, v0;
	v13 =	vadd.s32 v58, v17;
	v15 =	vadd.s32 v61, v60;
	[tilespmem:s23+$0x8100] =	vst v12  }
0xad: {  	s21 =	sshrl.u32 s22, $0x3;
	v63 =	vadd.s32 v62, v13;
	[tilespmem:s23+$0x8110] =	vst v15  }
0xae: {  	s22 =	sadd.s32 s6, s21;
	[tilespmem:s23+$0x8120] =	vst v63  }
0xaf: {  	[hbm4b:s22+s3] =	stream.linear.scatter [tilespmem:s14], [sflag:$0x3], $0x4000, $0x38;
	[tilespmem:$0x10100] =	vst v63  }
.Ltmp4:
0xb0: {  	(pc) =	sbr.rel .LBB2_7-.Ltmp4, $4  }
0xb1: {  	_ = 	snop  }
0xb2: {  	_ =	swait.ge [sflag:s15], $0x4000  }
0xb3: {  	[sflag:s15] =	ssyncset.done $0x0  }
0xb4: {  	[sflag:s15] =	ssyncadd.s32 $0xFFFFC000  }
.LBB2_6:
0xb5: {  	s22 =	sadd.s32 s1, s21  }
.Ltmp5:
0xb6: {  	s22 =	sadd.s32 $0x1000, s22;
	(pc) =	sbr.rel @p0 .LBB2_8-.Ltmp5, $4  }
0xb7: {  	[tilespmem:s11], [sflag:$0x1] =	stream.linear.gather [hbm4b:s22+s3], $0x4000, $0x38;
	[tilespmem:$0x10100] =	vst v63  }
0xb8: {  	_ =	swait.ge [sflag:s15], $0x4000  }
0xb9: {  	[sflag:s15] =	ssyncset.done $0x0  }
0xba: {  	[sflag:s15] =	ssyncadd.s32 $0xFFFFC000  }
.LBB2_7:
0xbb: {  	_ =	swait.ge [sflag:s16], $0x4000  }
0xbc: {  	[sflag:s16] =	ssyncset.done $0x0  }
0xbd: {  	[sflag:s16] =	ssyncadd.s32 $0xFFFFC000  }
.LBB2_8:
0xbe: {  	s22 =	simm.s32 $0x0  }
0xbf: {  	v15 =	vld [tilespmem:s22+$0x4130];
	_ =	sdelay $0x4  }
0xc0: {  	vm0 =	vgt.f32 v15, v1;
	vm1 =	vgt.f32 v15, v2  }
0xc1: {  	v12 =	vsel vm0, $0x1, v0;
	v13 =	vsel vm1, $0x1, v0;
	vm0 =	vgt.f32 v15, v3  }
0xc2: {  	v12 =	vadd.s32 v13, v12;
	v13 =	vsel vm0, $0x1, v0;
	vm0 =	vgt.f32 v15, v4  }
0xc3: {  	v12 =	vadd.s32 v13, v12;
	v13 =	vsel vm0, $0x1, v0;
	vm0 =	vgt.f32 v15, v5  }
0xc4: {  	v13 =	vadd.s32 v13, v12;
	v14 =	vsel vm0, $0x1, v0;
	vm0 =	vgt.f32 v15, v6  }
0xc5: {  	v12 =	vld [tilespmem:s22+$0x4100];
	v14 =	vadd.s32 v14, v13;
	v16 =	vsel vm0, $0x1, v0;
	vm0 =	vgt.f32 v15, v7  }
0xc6: {  	v13 =	vld [tilespmem:s22+$0x4110];
	v16 =	vadd.s32 v16, v14;
	v17 =	vsel vm0, $0x1, v0;
	vm0 =	vgt.f32 v15, v8  }
0xc7: {  	v14 =	vld [tilespmem:s22+$0x4120];
	v16 =	vadd.s32 v17, v16;
	v17 =	vsel vm0, $0x1, v0;
	vm0 =	vgt.f32 v15, v9  }
0xc8: {  	v16 =	vadd.s32 v17, v16;
	v17 =	vsel vm0, $0x1, v0;
	vm0 =	vgt.f32 v15, v10  }
0xc9: {  	v16 =	vadd.s32 v17, v16;
	v17 =	vsel vm0, $0x1, v0;
	vm0 =	vgt.f32 v15, v11  }
0xca: {  	vm1 =	vgt.f32 v12, v1;
	v15 =	vadd.s32 v17, v16;
	v16 =	vsel vm0, $0x1, v0  }
0xcb: {  	vm0 =	vgt.f32 v12, v2;
	vm2 =	vgt.f32 v13, v1;
	vm3 =	vgt.f32 v13, v2  }
0xcc: {  	v15 =	vadd.s32 v16, v15;
	vm4 =	vgt.f32 v14, v1;
	vm5 =	vgt.f32 v14, v2  }
0xcd: {  	v16 =	vsel vm1, $0x1, v0;
	v17 =	vsel vm0, $0x1, v0;
	v18 =	vsel vm2, $0x1, v0  }
0xce: {  	v19 =	vsel vm3, $0x1, v0;
	vm0 =	vgt.f32 v12, v3;
	vm1 =	vgt.f32 v13, v3  }
0xcf: {  	vm2 =	vgt.f32 v14, v3;
	v20 =	vsel vm4, $0x1, v0;
	v21 =	vsel vm5, $0x1, v0  }
0xd0: {  	v16 =	vadd.s32 v17, v16;
	v17 =	vadd.s32 v19, v18;
	v19 =	vsel vm0, $0x1, v0  }
0xd1: {  	v50 =	vsel vm1, $0x1, v0;
	v51 =	vsel vm2, $0x1, v0;
	vm0 =	vgt.f32 v12, v4  }
0xd2: {  	vm1 =	vgt.f32 v13, v4;
	vm2 =	vgt.f32 v14, v4;
	v18 =	vadd.s32 v21, v20  }
0xd3: {  	v16 =	vadd.s32 v19, v16;
	v17 =	vadd.s32 v50, v17;
	v19 =	vsel vm0, $0x1, v0  }
0xd4: {  	v52 =	vsel vm1, $0x1, v0;
	v53 =	vsel vm2, $0x1, v0;
	vm0 =	vgt.f32 v12, v5  }
0xd5: {  	vm1 =	vgt.f32 v13, v5;
	vm2 =	vgt.f32 v14, v5;
	v18 =	vadd.s32 v51, v18  }
0xd6: {  	v16 =	vadd.s32 v19, v16;
	v17 =	vadd.s32 v52, v17;
	v19 =	vsel vm0, $0x1, v0  }
0xd7: {  	v54 =	vsel vm1, $0x1, v0;
	v55 =	vsel vm2, $0x1, v0;
	vm0 =	vgt.f32 v12, v6  }
0xd8: {  	vm1 =	vgt.f32 v13, v6;
	vm2 =	vgt.f32 v14, v6;
	v18 =	vadd.s32 v53, v18  }
0xd9: {  	v16 =	vadd.s32 v19, v16;
	v17 =	vadd.s32 v54, v17;
	v19 =	vsel vm0, $0x1, v0  }
0xda: {  	v56 =	vsel vm1, $0x1, v0;
	v57 =	vsel vm2, $0x1, v0;
	vm0 =	vgt.f32 v12, v7  }
0xdb: {  	vm1 =	vgt.f32 v13, v7;
	vm2 =	vgt.f32 v14, v7;
	v18 =	vadd.s32 v55, v18  }
0xdc: {  	v16 =	vadd.s32 v19, v16;
	v17 =	vadd.s32 v56, v17;
	v19 =	vsel vm0, $0x1, v0  }
0xdd: {  	v58 =	vsel vm1, $0x1, v0;
	v59 =	vsel vm2, $0x1, v0;
	vm0 =	vgt.f32 v12, v8  }
0xde: {  	vm1 =	vgt.f32 v13, v8;
	vm2 =	vgt.f32 v14, v8;
	v18 =	vadd.s32 v57, v18  }
0xdf: {  	v16 =	vadd.s32 v19, v16;
	v17 =	vadd.s32 v58, v17;
	v19 =	vsel vm0, $0x1, v0  }
0xe0: {  	v60 =	vsel vm1, $0x1, v0;
	v61 =	vsel vm2, $0x1, v0;
	vm0 =	vgt.f32 v12, v9  }
0xe1: {  	vm1 =	vgt.f32 v13, v9;
	vm2 =	vgt.f32 v14, v9;
	v18 =	vadd.s32 v59, v18  }
0xe2: {  	v16 =	vadd.s32 v19, v16;
	v17 =	vadd.s32 v60, v17;
	v19 =	vsel vm0, $0x1, v0  }
0xe3: {  	v62 =	vsel vm1, $0x1, v0;
	v63 =	vsel vm2, $0x1, v0;
	vm0 =	vgt.f32 v12, v10  }
0xe4: {  	vm1 =	vgt.f32 v13, v10;
	vm2 =	vgt.f32 v14, v10;
	v18 =	vadd.s32 v61, v18  }
0xe5: {  	s23 =	simm.s32 $0x40;
	s24 =	simm.s32 $0x200;
	[tilespmem:s22+$0xC130] =	vst v15;
	v15 =	vadd.s32 v19, v16;
	v16 =	vadd.s32 v62, v17;
	v17 =	vadd.s32 v63, v18  }
.LBB2_9:
0xe6: {  	p0 =	sne.s32 s24, $0xFF00;
	v18 =	vld [tilespmem:s23+$0x4130];
	v19 =	vsel vm0, $0x1, v0;
	v20 =	vsel vm1, $0x1, v0;
	v21 =	vsel vm2, $0x1, v0  }
0xe7: {  	vm0 =	vgt.f32 v12, v11;
	vm1 =	vgt.f32 v13, v11;
	vm2 =	vgt.f32 v14, v11;
	v12 =	vld [tilespmem:s23+$0x4100]  }
0xe8: {  	v15 =	vadd.s32 v19, v15;
	v16 =	vadd.s32 v20, v16;
	v17 =	vadd.s32 v21, v17;
	v13 =	vld [tilespmem:s23+$0x4110]  }
0xe9: {  	v19 =	vsel vm0, $0x1, v0;
	v20 =	vsel vm1, $0x1, v0;
	v21 =	vsel vm2, $0x1, v0;
	v14 =	vld [tilespmem:s23+$0x4120]  }
0xea: {  	v15 =	vadd.s32 v19, v15;
	v16 =	vadd.s32 v20, v16;
	v17 =	vadd.s32 v21, v17  }
0xeb: {  	vm0 =	vgt.f32 v18, v1;
	vm1 =	vgt.f32 v18, v2;
	[tilespmem:s22+$0xC100] =	vst v15  }
0xec: {  	v15 =	vsel vm0, $0x1, v0;
	v19 =	vsel vm1, $0x1, v0;
	vm0 =	vgt.f32 v18, v3;
	[tilespmem:s22+$0xC110] =	vst v16  }
0xed: {  	v15 =	vadd.s32 v19, v15;
	v16 =	vsel vm0, $0x1, v0;
	vm0 =	vgt.f32 v18, v4;
	[tilespmem:s22+$0xC120] =	vst v17;
	s22 =	smov.u32 s23  }
0xee: {  	v15 =	vadd.s32 v16, v15;
	v16 =	vsel vm0, $0x1, v0;
	vm0 =	vgt.f32 v18, v5  }
0xef: {  	v15 =	vadd.s32 v16, v15;
	v16 =	vsel vm0, $0x1, v0;
	vm0 =	vgt.f32 v18, v6  }
0xf0: {  	v15 =	vadd.s32 v16, v15;
	v16 =	vsel vm0, $0x1, v0;
	vm0 =	vgt.f32 v18, v7  }
0xf1: {  	v15 =	vadd.s32 v16, v15;
	v16 =	vsel vm0, $0x1, v0;
	vm0 =	vgt.f32 v18, v8  }
0xf2: {  	v15 =	vadd.s32 v16, v15;
	v16 =	vsel vm0, $0x1, v0;
	vm0 =	vgt.f32 v18, v9  }
0xf3: {  	v15 =	vadd.s32 v16, v15;
	v16 =	vsel vm0, $0x1, v0;
	vm0 =	vgt.f32 v18, v10  }
0xf4: {  	v15 =	vadd.s32 v16, v15;
	v16 =	vsel vm0, $0x1, v0;
	vm0 =	vgt.f32 v18, v11  }
0xf5: {  	vm1 =	vgt.f32 v12, v1;
	v15 =	vadd.s32 v16, v15;
	v16 =	vsel vm0, $0x1, v0  }
0xf6: {  	vm2 =	vgt.f32 v13, v1;
	vm0 =	vgt.f32 v12, v2;
	v15 =	vadd.s32 v16, v15  }
0xf7: {  	vm3 =	vgt.f32 v13, v2;
	vm4 =	vgt.f32 v14, v1;
	vm5 =	vgt.f32 v14, v2;
	[tilespmem:s22+$0xC130] =	vst v15  }
0xf8: {  	v17 =	vsel vm2, $0x1, v0;
	v16 =	vsel vm0, $0x1, v0;
	v15 =	vsel vm1, $0x1, v0  }
0xf9: {  	v19 =	vsel vm4, $0x1, v0;
	v20 =	vsel vm5, $0x1, v0;
	v18 =	vsel vm3, $0x1, v0  }
0xfa: {  	vm2 =	vgt.f32 v14, v3;
	vm0 =	vgt.f32 v12, v3;
	vm1 =	vgt.f32 v13, v3  }
0xfb: {  	v15 =	vadd.s32 v16, v15;
	v16 =	vadd.s32 v18, v17;
	v17 =	vadd.s32 v20, v19  }
0xfc: {  	v18 =	vsel vm0, $0x1, v0;
	v19 =	vsel vm1, $0x1, v0;
	v20 =	vsel vm2, $0x1, v0  }
0xfd: {  	vm0 =	vgt.f32 v12, v4;
	vm1 =	vgt.f32 v13, v4;
	vm2 =	vgt.f32 v14, v4  }
0xfe: {  	v15 =	vadd.s32 v18, v15;
	v16 =	vadd.s32 v19, v16;
	v17 =	vadd.s32 v20, v17  }
0xff: {  	v18 =	vsel vm0, $0x1, v0;
	v19 =	vsel vm1, $0x1, v0;
	v20 =	vsel vm2, $0x1, v0  }
0x100: {  	vm0 =	vgt.f32 v12, v5;
	vm1 =	vgt.f32 v13, v5;
	vm2 =	vgt.f32 v14, v5  }
0x101: {  	v15 =	vadd.s32 v18, v15;
	v16 =	vadd.s32 v19, v16;
	v17 =	vadd.s32 v20, v17  }
0x102: {  	v18 =	vsel vm0, $0x1, v0;
	v19 =	vsel vm1, $0x1, v0;
	v20 =	vsel vm2, $0x1, v0  }
0x103: {  	vm0 =	vgt.f32 v12, v6;
	vm1 =	vgt.f32 v13, v6;
	vm2 =	vgt.f32 v14, v6  }
0x104: {  	v15 =	vadd.s32 v18, v15;
	v16 =	vadd.s32 v19, v16;
	v17 =	vadd.s32 v20, v17  }
0x105: {  	v18 =	vsel vm0, $0x1, v0;
	v19 =	vsel vm1, $0x1, v0;
	v20 =	vsel vm2, $0x1, v0  }
0x106: {  	vm0 =	vgt.f32 v12, v7;
	vm1 =	vgt.f32 v13, v7;
	vm2 =	vgt.f32 v14, v7  }
0x107: {  	v15 =	vadd.s32 v18, v15;
	v16 =	vadd.s32 v19, v16;
	v17 =	vadd.s32 v20, v17  }
0x108: {  	v18 =	vsel vm0, $0x1, v0;
	v19 =	vsel vm1, $0x1, v0;
	v20 =	vsel vm2, $0x1, v0  }
0x109: {  	vm0 =	vgt.f32 v12, v8;
	vm1 =	vgt.f32 v13, v8;
	vm2 =	vgt.f32 v14, v8  }
0x10a: {  	v15 =	vadd.s32 v18, v15;
	v16 =	vadd.s32 v19, v16;
	v17 =	vadd.s32 v20, v17  }
0x10b: {  	v18 =	vsel vm0, $0x1, v0;
	v19 =	vsel vm1, $0x1, v0;
	v20 =	vsel vm2, $0x1, v0  }
.Ltmp6:
0x10c: {  	vm0 =	vgt.f32 v12, v9;
	vm1 =	vgt.f32 v13, v9;
	vm2 =	vgt.f32 v14, v9;
	(pc) =	sbr.rel @p0 .LBB2_9-.Ltmp6, $4  }
0x10d: {  	v15 =	vadd.s32 v18, v15;
	v16 =	vadd.s32 v19, v16;
	v17 =	vadd.s32 v20, v17  }
0x10e: {  	v18 =	vsel vm0, $0x1, v0;
	v19 =	vsel vm1, $0x1, v0;
	v20 =	vsel vm2, $0x1, v0  }
0x10f: {  	vm0 =	vgt.f32 v12, v10;
	vm1 =	vgt.f32 v13, v10;
	vm2 =	vgt.f32 v14, v10  }
0x110: {  	s23 =	sshra.s32 s24, $0x2;
	s24 =	sadd.s32 $0x100, s24;
	v15 =	vadd.s32 v18, v15;
	v16 =	vadd.s32 v19, v16;
	v17 =	vadd.s32 v20, v17  }
0x111: {  	v18 =	vld [tilespmem:s23+$0x4130];
	v19 =	vsel vm0, $0x1, v0  }
0x112: {  	v20 =	vsel vm1, $0x1, v0;
	v21 =	vsel vm2, $0x1, v0;
	vm8 =	vgt.f32 v12, v11  }
0x113: {  	vm9 =	vgt.f32 v13, v11;
	vm10 =	vgt.f32 v14, v11;
	v51 =	vadd.s32 v19, v15  }
0x114: {  	v62 =	vld [tilespmem:s23+$0x4100];
	v52 =	vadd.s32 v20, v16;
	v53 =	vadd.s32 v21, v17;
	v54 =	vsel vm8, $0x1, v0  }
0x115: {  	v24 =	vld [tilespmem:s23+$0x4110];
	v55 =	vsel vm9, $0x1, v0;
	v56 =	vsel vm10, $0x1, v0;
	v12 =	vadd.s32 v54, v51  }
0x116: {  	v13 =	vadd.s32 v55, v52;
	v14 =	vadd.s32 v56, v53;
	vm11 =	vgt.f32 v18, v1  }
0x117: {  	vm12 =	vgt.f32 v18, v2;
	vm13 =	vgt.f32 v18, v3;
	vm14 =	vgt.f32 v18, v4  }
0x118: {  	vm15 =	vgt.f32 v18, v5;
	vm4 =	vgt.f32 v18, v6;
	vm5 =	vgt.f32 v18, v7  }
0x119: {  	vm6 =	vgt.f32 v18, v8;
	vm7 =	vgt.f32 v18, v9;
	vm8 =	vgt.f32 v18, v10  }
0x11a: {  	v26 =	vld [tilespmem:s23+$0x4120];
	vm9 =	vgt.f32 v18, v11;
	vm10 =	vgt.f32 v62, v1;
	vm3 =	vgt.f32 v24, v2  }
0x11b: {  	v57 =	vsel vm11, $0x1, v0;
	v58 =	vsel vm12, $0x1, v0;
	v59 =	vsel vm13, $0x1, v0  }
0x11c: {  	v60 =	vsel vm14, $0x1, v0;
	v61 =	vsel vm15, $0x1, v0;
	v63 =	vsel vm4, $0x1, v0  }
0x11d: {  	v25 =	vsel vm5, $0x1, v0;
	v27 =	vsel vm6, $0x1, v0;
	v28 =	vsel vm7, $0x1, v0  }
0x11e: {  	v29 =	vsel vm8, $0x1, v0;
	v30 =	vsel vm9, $0x1, v0;
	vm11 =	vgt.f32 v62, v2  }
0x11f: {  	vm12 =	vgt.f32 v24, v1;
	vm4 =	vgt.f32 v26, v1;
	vm5 =	vgt.f32 v26, v2  }
0x120: {  	v31 =	vsel vm10, $0x1, v0;
	v22 =	vsel vm3, $0x1, v0;
	vm13 =	vgt.f32 v62, v3  }
0x121: {  	vm14 =	vgt.f32 v24, v3;
	vm15 =	vgt.f32 v26, v3;
	vm6 =	vgt.f32 v26, v4  }
0x122: {  	vm7 =	vgt.f32 v62, v5;
	vm8 =	vgt.f32 v24, v5;
	vm9 =	vgt.f32 v26, v5  }
0x123: {  	vm10 =	vgt.f32 v62, v6;
	v15 =	vadd.s32 v58, v57;
	v32 =	vsel vm11, $0x1, v0  }
0x124: {  	v33 =	vsel vm12, $0x1, v0;
	v23 =	vsel vm4, $0x1, v0;
	v34 =	vsel vm5, $0x1, v0  }
0x125: {  	v35 =	vsel vm13, $0x1, v0;
	v36 =	vsel vm14, $0x1, v0;
	v37 =	vsel vm15, $0x1, v0  }
0x126: {  	vm4 =	vgt.f32 v62, v4;
	vm5 =	vgt.f32 v24, v4;
	v40 =	vsel vm6, $0x1, v0  }
0x127: {  	v41 =	vsel vm7, $0x1, v0;
	v42 =	vsel vm8, $0x1, v0;
	v43 =	vsel vm9, $0x1, v0  }
0x128: {  	vm11 =	vgt.f32 v24, v6;
	vm12 =	vgt.f32 v26, v6;
	v44 =	vsel vm10, $0x1, v0  }
0x129: {  	vm13 =	vgt.f32 v62, v7;
	vm14 =	vgt.f32 v24, v7;
	vm15 =	vgt.f32 v26, v7  }
0x12a: {  	vm6 =	vgt.f32 v26, v8;
	vm7 =	vgt.f32 v62, v9;
	vm8 =	vgt.f32 v24, v9  }
0x12b: {  	vm9 =	vgt.f32 v26, v9;
	vm10 =	vgt.f32 v62, v10;
	v15 =	vadd.s32 v59, v15  }
0x12c: {  	v16 =	vadd.s32 v32, v31;
	v18 =	vadd.s32 v22, v33;
	v17 =	vadd.s32 v34, v23  }
0x12d: {  	v38 =	vsel vm4, $0x1, v0;
	v39 =	vsel vm5, $0x1, v0;
	v45 =	vsel vm11, $0x1, v0  }
0x12e: {  	v46 =	vsel vm12, $0x1, v0;
	v47 =	vsel vm13, $0x1, v0;
	v48 =	vsel vm14, $0x1, v0  }
0x12f: {  	v49 =	vsel vm15, $0x1, v0;
	vm4 =	vgt.f32 v62, v8;
	vm5 =	vgt.f32 v24, v8  }
0x130: {  	v52 =	vsel vm6, $0x1, v0;
	v53 =	vsel vm7, $0x1, v0;
	v54 =	vsel vm8, $0x1, v0  }
0x131: {  	v55 =	vsel vm9, $0x1, v0;
	vm11 =	vgt.f32 v24, v10;
	vm12 =	vgt.f32 v26, v10  }
0x132: {  	v56 =	vsel vm10, $0x1, v0;
	vm13 =	vgt.f32 v62, v11;
	vm14 =	vgt.f32 v24, v11  }
0x133: {  	vm15 =	vgt.f32 v26, v11;
	v15 =	vadd.s32 v60, v15;
	v16 =	vadd.s32 v35, v16  }
0x134: {  	v18 =	vadd.s32 v36, v18;
	v17 =	vadd.s32 v37, v17;
	v50 =	vsel vm4, $0x1, v0  }
0x135: {  	v51 =	vsel vm5, $0x1, v0;
	v57 =	vsel vm11, $0x1, v0;
	v58 =	vsel vm12, $0x1, v0  }
0x136: {  	v59 =	vsel vm13, $0x1, v0;
	v15 =	vadd.s32 v61, v15;
	v16 =	vadd.s32 v38, v16  }
0x137: {  	v18 =	vadd.s32 v39, v18;
	v17 =	vadd.s32 v40, v17;
	v61 =	vsel vm14, $0x1, v0  }
0x138: {  	v15 =	vadd.s32 v63, v15;
	v16 =	vadd.s32 v41, v16;
	v18 =	vadd.s32 v42, v18  }
0x139: {  	v17 =	vadd.s32 v43, v17;
	v15 =	vadd.s32 v25, v15;
	v16 =	vadd.s32 v44, v16  }
0x13a: {  	v18 =	vadd.s32 v45, v18;
	v17 =	vadd.s32 v46, v17;
	v15 =	vadd.s32 v27, v15  }
0x13b: {  	v16 =	vadd.s32 v47, v16;
	v18 =	vadd.s32 v48, v18;
	v17 =	vadd.s32 v49, v17  }
0x13c: {  	[tilespmem:s22+$0xC100] =	vst v12;
	v15 =	vadd.s32 v28, v15;
	v16 =	vadd.s32 v50, v16;
	v18 =	vadd.s32 v51, v18  }
0x13d: {  	[tilespmem:s22+$0xC110] =	vst v13;
	v17 =	vadd.s32 v52, v17;
	v15 =	vadd.s32 v29, v15;
	v16 =	vadd.s32 v53, v16  }
0x13e: {  	p0 =	seq.s32 s20, $0x3;
	[tilespmem:s22+$0xC120] =	vst v14;
	v18 =	vadd.s32 v54, v18;
	v15 =	vadd.s32 v30, v15;
	v12 =	vadd.s32 v56, v16  }
.Ltmp7:
0x13f: {  	v17 =	vadd.s32 v55, v17;
	v60 =	vadd.s32 v57, v18;
	[tilespmem:s23+$0xC130] =	vst v15;
	v12 =	vadd.s32 v59, v12;
	(pc) =	sbr.rel @p0 .LBB2_12-.Ltmp7, $4  }
0x140: {  	v62 =	vsel vm15, $0x1, v0;
	v13 =	vadd.s32 v58, v17;
	v15 =	vadd.s32 v61, v60;
	[tilespmem:s23+$0xC100] =	vst v12  }
0x141: {  	s31 =	sadd.s32 s21, s6;
	v63 =	vadd.s32 v62, v13;
	[tilespmem:s23+$0xC110] =	vst v15  }
0x142: {  	s22 =	sadd.s32 $0x800, s31;
	[tilespmem:s23+$0xC120] =	vst v63  }
0x143: {  	[hbm4b:s22+s3] =	stream.linear.scatter [tilespmem:s17], [sflag:$0x4], $0x4000, $0x38;
	[tilespmem:$0x10100] =	vst v63  }
.Ltmp8:
0x144: {  	(pc) =	sbr.rel .LBB2_2-.Ltmp8, $4  }
0x145: {  	_ = 	snop  }
0x146: {  	s21 =	sadd.s32 s1, s21  }
0x147: {  	s20 =	sadd.s32 $0x1, s20;
	s21 =	sadd.s32 $0x1800, s21  }
0x148: {  	[tilespmem:s12], [sflag:$0x2] =	stream.linear.gather [hbm4b:s21+s3], $0x4000, $0x38;
	[tilespmem:$0x10100] =	vst v63  }
.LBB2_13:
0x149: {  	_ =	sfence.sel $0x180000  }
0x14a: {  	[bflag:$0x0] =	sbarrier.arrive $0xFFFF  }
0x14b: {  	p0 =	sne.s32 s2, $0x0;
	_ =	strace $0x90000047  }
0x14c: {  	s0 =	sadd.s32 @!p0 $0x100000, s0;
	[bflag:$0x2] =	sbarrier.arrive $0xFFFF  }
0x14d: {  	[sflag:s0] =	ssyncadd.tile.s32 @!p0 $0x1;
	_ =	shalt  }
.Lfunc_end2:
_tile_overlayer_lowered:
.L_overlay_start_2:
0x14e: {  	(tag) =	ssettag $0x2  }
0x14f: {  	s0 =	rddreg [dreg:$0x0];
	s2 =	stileid.u32  }
0x150: {  	s1 =	rddreg [dreg:$0x1];
	p0 =	sne.s32 s2, $0x0  }
0x151: {  	s3 =	rddreg [dreg:$0x2];
	[bflag:$0x3] =	sbarrier.arrive $0xFFFF;
	s2 =	simm.s32 @!p0 $0x1C05  }
0x152: {  	[timem:s3], [sflag:s2] =	dma.local @!p0 [hbm:s0], s1  }
0x153: {  	s0 =	simm.s32 @!p0 $0x5  }
0x154: {  	_ =	swait.ge @!p0 [sflag:s0], s1  }
0x155: {  	s1 =	ssub.s32 @!p0 $0x0, s1;
	[sflag:s0] =	ssyncset.done @!p0 $0x0  }
0x156: {  	[sflag:s0] =	ssyncadd.s32 @!p0 s1  }
0x157: {  	[bflag:$0x3] =	sbarrier.arrive $0xFFFF  }
0x158: {  	_ =	shalt  }

</sc_bundles>
